<compile_context>
chip_gen: v7x
topology: tpu7x:2x2x1
jax: 0.10.2.dev20260603
libtpu: 0.0.44.dev20260713+nightly
codegen_flags: <defaults>
</compile_context>

<pallas_src>
import functools
import math

import jax
import jax.numpy as jnp
from jax import lax
from jax.experimental import pallas as pl
from jax.experimental.pallas import tpu as pltpu
from jax.experimental.pallas import tpu_sc as plsc

NC = 2
NS = 16
NW = NC * NS
LANES = 16
CHUNK = 128
PADW = 128
NBUF = 4


@functools.partial(jax.jit, static_argnums=(2, 3))
def _embed(idx, table, n_chunks, scale):
    total = NW * n_chunks * CHUNK
    d = table.shape[1]

    @functools.partial(
        pl.kernel,
        mesh=plsc.VectorSubcoreMesh(core_axis_name="c", subcore_axis_name="s"),
        out_type=jax.ShapeDtypeStruct((total, d), jnp.float32),
        scratch_types=[
            pltpu.VMEM((n_chunks, CHUNK), jnp.int32),
            pltpu.VMEM((NBUF, CHUNK, d), jnp.float32),
            [pltpu.SemaphoreType.DMA] * NBUF,
            [pltpu.SemaphoreType.DMA] * NBUF,
        ],
    )
    def body(idx_hbm, table_hbm, out_hbm, idx_v, rows_v, sin, sout):
        wid = lax.axis_index("s") * NC + lax.axis_index("c")
        pltpu.sync_copy(idx_hbm.at[pl.ds(wid * n_chunks, n_chunks)], idx_v)
        base = wid * n_chunks * CHUNK

        def gather(j, b):
            pltpu.async_copy(table_hbm.at[idx_v.at[j]], rows_v.at[b], sin[b])

        def wait_gather(j, b):
            pltpu.make_async_copy(
                table_hbm.at[idx_v.at[j]], rows_v.at[b], sin[b]
            ).wait()

        def putout(j, b):
            pltpu.async_copy(
                rows_v.at[b], out_hbm.at[pl.ds(base + j * CHUNK, CHUNK)], sout[b]
            )

        def wait_putout(j, b):
            pltpu.make_async_copy(
                rows_v.at[b], out_hbm.at[pl.ds(base + j * CHUNK, CHUNK)], sout[b]
            ).wait()

        def scale_buf(b):
            @plsc.parallel_loop(0, CHUNK, unroll=8)
            def scale_row(r):
                for c in range(64 // LANES):
                    s = pl.ds(c * LANES, LANES)
                    rows_v[b, r, s] = rows_v[b, r, s] * scale

        for b in range(NBUF - 1):
            gather(b, b)

        def ring_body(q, carry):
            j0 = q * NBUF
            for b in range(NBUF):
                j = j0 + b
                wait_gather(j, b)
                scale_buf(b)
                putout(j, b)

                @pl.when(j + NBUF - 1 < n_chunks)
                def _(j=j, b=b):
                    nb = (b - 1) % NBUF

                    @pl.when(j >= 1)
                    def _():
                        wait_putout(j - 1, nb)

                    gather(j + NBUF - 1, nb)

            return carry

        lax.fori_loop(0, n_chunks // NBUF, ring_body, 0)
        for k in range(NBUF):
            j = n_chunks - NBUF + k
            wait_putout(j, j % NBUF)

    return body(idx, table)


def kernel(x, table):
    b, s = x.shape
    v, d = table.shape
    total = b * s
    assert total % (NW * CHUNK) == 0
    n_chunks = total // (NW * CHUNK)
    idx = x.reshape(NW * n_chunks, CHUNK).astype(jnp.int32)
    tablep = jnp.pad(table, ((0, 0), (0, PADW - d)))
    out = _embed(idx, tablep, n_chunks, float(math.sqrt(d)))
    return out[:, :d].reshape(b, s, d)

# --- scband reference (transcript-rebuilt; emitter-appended) ---
"""Pipeline reference for scband-embedding-39977555591768 (READ-ONLY COPY).

The authoritative reference and input builder live on the scoring server;
editing this copy changes nothing except your own understanding.
"""

import jax, jax.numpy as jnp
import numpy as np
import math

D_MODEL = 64
VOCAB = 1000000

def setup_inputs(seed: int = 0) -> dict:
    key = jax.random.key(seed)
    k1, k2 = jax.random.split(key)
    x = jax.random.randint(k1, (4096, 200), 0, VOCAB, dtype=jnp.int64 if jax.config.jax_enable_x64 else jnp.int32)
    table = jax.random.normal(k2, (VOCAB, D_MODEL), dtype=jnp.float32)
    return {"x": x, "table": table}

def reference(x, table):
    # nn.Embedding lookup followed by scaling with sqrt(d_model)
    out = jnp.take(table, x, axis=0) * math.sqrt(D_MODEL)
    return out

if __name__ == "__main__":
    import jax
    _d = setup_inputs()
    print(jax.jit(kernel)(*tuple(_d.values())))

</pallas_src>

<mosaic_0001>
#map = affine_map<(d0, d1) -> (0, 0)>
module attributes {stable_mosaic.version = 14 : i64} {
  func.func @body(%arg0: i32, %arg1: i32, %arg2: memref<6400x128xi32, #tpu.memory_space<hbm>>, %arg3: memref<1000000x128xf32, #tpu.memory_space<hbm>>, %arg4: memref<819200x128xf32, #tpu.memory_space<hbm>>, %arg5: memref<200x128xi32, #tpu.memory_space<vmem>>, %arg6: memref<4x128x128xf32, #tpu.memory_space<vmem>>, %arg7: memref<!tpu.dma_semaphore, #tpu.memory_space<semaphore_mem>>, %arg8: memref<!tpu.dma_semaphore, #tpu.memory_space<semaphore_mem>>, %arg9: memref<!tpu.dma_semaphore, #tpu.memory_space<semaphore_mem>>, %arg10: memref<!tpu.dma_semaphore, #tpu.memory_space<semaphore_mem>>, %arg11: memref<!tpu.dma_semaphore, #tpu.memory_space<semaphore_mem>>, %arg12: memref<!tpu.dma_semaphore, #tpu.memory_space<semaphore_mem>>, %arg13: memref<!tpu.dma_semaphore, #tpu.memory_space<semaphore_mem>>, %arg14: memref<!tpu.dma_semaphore, #tpu.memory_space<semaphore_mem>>) attributes {dimension_semantics = [#tpu.dimension_semantics<core_parallel>, #tpu.dimension_semantics<subcore_parallel>], iteration_bounds = array<i64: 2, 16>, scalar_prefetch = 0 : i64, scratch_operands = 10 : i64, tpu.core_type = #tpu.core_type<sc_vector_subcore>, window_params = [{transform_indices = #map}, {transform_indices = #map}, {transform_indices = #map}]} {
    %mul3A = arith.constant 2 : i32
    %mul3A_0 = arith.muli %arg1, %mul3A : i32
    %add3A = arith.addi %mul3A_0, %arg0 : i32
    %mul3A_1 = arith.constant 200 : i32
    %mul3A_2 = arith.muli %add3A, %mul3A_1 : i32
    "tpu.region"() ({
      %run_scoped3A = tpu.sem_alloc : memref<!tpu.dma_semaphore, #tpu.memory_space<semaphore_mem>>
      %dma_start3A_106 = arith.constant 0 : i32
      %dma_start3A_107 = tpu.memref_slice %arg2[%mul3A_2, %dma_start3A_106] : memref<6400x128xi32, #tpu.memory_space<hbm>> -> memref<200x128xi32, #tpu.memory_space<hbm>>
      %dma_start3A_108 = arith.constant 0 : i32
      %dma_start3A_109 = tpu.memref_slice %arg2[%mul3A_2, %dma_start3A_108] : memref<6400x128xi32, #tpu.memory_space<hbm>> -> memref<200x128xi32, #tpu.memory_space<hbm>>
      tpu.enqueue_dma source(%dma_start3A_109 : memref<200x128xi32, #tpu.memory_space<hbm>>) target(%arg5 : memref<200x128xi32, #tpu.memory_space<vmem>>) target_semaphore(%run_scoped3A : memref<!tpu.dma_semaphore, #tpu.memory_space<semaphore_mem>>)
      %dma_wait3A_110 = arith.constant 0 : i32
      %dma_wait3A_111 = tpu.memref_slice %arg2[%mul3A_2, %dma_wait3A_110] : memref<6400x128xi32, #tpu.memory_space<hbm>> -> memref<200x128xi32, #tpu.memory_space<hbm>>
      %dma_wait3A_112 = arith.constant 0 : i32
      %dma_wait3A_113 = tpu.memref_slice %arg2[%mul3A_2, %dma_wait3A_112] : memref<6400x128xi32, #tpu.memory_space<hbm>> -> memref<200x128xi32, #tpu.memory_space<hbm>>
      tpu.wait_dma2 semaphore(%run_scoped3A : memref<!tpu.dma_semaphore, #tpu.memory_space<semaphore_mem>>) src(%dma_wait3A_113 : memref<200x128xi32, #tpu.memory_space<hbm>>) dst(%arg5 : memref<200x128xi32, #tpu.memory_space<vmem>>)
      tpu.yield
    }) : () -> ()
    %mul3A_3 = arith.constant 200 : i32
    %mul3A_4 = arith.muli %add3A, %mul3A_3 : i32
    %mul3A_5 = arith.constant 128 : i32
    %mul3A_6 = arith.muli %mul3A_4, %mul3A_5 : i32
    %dma_start3A = arith.constant 0 : i32
    %dma_start3A_7 = arith.constant 0 : i32
    %dma_start3A_8 = arith.constant 0 : i32
    %dma_start3A_9 = arith.constant 0 : i32
    %dma_start3A_10 = tpu.memref_slice %arg6[%dma_start3A_7, %dma_start3A_8, %dma_start3A_9] : memref<4x128x128xf32, #tpu.memory_space<vmem>> -> memref<1x128x128xf32, #tpu.memory_space<vmem>>
    %dma_start3A_11 = tpu.memref_squeeze %dma_start3A_10 : memref<1x128x128xf32, #tpu.memory_space<vmem>> -> memref<128x128xf32, #tpu.memory_space<vmem>>
    %dma_start3A_12 = arith.constant 0 : i32
    %dma_start3A_13 = tpu.memref_slice %arg5[%dma_start3A, %dma_start3A_12] : memref<200x128xi32, #tpu.memory_space<vmem>> -> memref<1x128xi32, #tpu.memory_space<vmem>>
    %dma_start3A_14 = tpu.memref_squeeze %dma_start3A_13 : memref<1x128xi32, #tpu.memory_space<vmem>> -> memref<128xi32, #tpu.memory_space<vmem>>
    %dma_start3A_15 = arith.constant 0 : i32
    %dma_start3A_16 = arith.constant 0 : i32
    %dma_start3A_17 = tpu.memref_slice %arg3[%dma_start3A_15, %dma_start3A_16] : memref<1000000x128xf32, #tpu.memory_space<hbm>> -> memref<1000000x128xf32, #tpu.memory_space<hbm>>
    tpu.enqueue_indirect_dma source(%dma_start3A_17 : memref<1000000x128xf32, #tpu.memory_space<hbm>>) target(%dma_start3A_11 : memref<128x128xf32, #tpu.memory_space<vmem>>) offsets(%dma_start3A_14 : memref<128xi32, #tpu.memory_space<vmem>>) semaphore(%arg7 : memref<!tpu.dma_semaphore, #tpu.memory_space<semaphore_mem>>)
    %dma_start3A_18 = arith.constant 1 : i32
    %dma_start3A_19 = arith.constant 1 : i32
    %dma_start3A_20 = arith.constant 0 : i32
    %dma_start3A_21 = arith.constant 0 : i32
    %dma_start3A_22 = tpu.memref_slice %arg6[%dma_start3A_19, %dma_start3A_20, %dma_start3A_21] : memref<4x128x128xf32, #tpu.memory_space<vmem>> -> memref<1x128x128xf32, #tpu.memory_space<vmem>>
    %dma_start3A_23 = tpu.memref_squeeze %dma_start3A_22 : memref<1x128x128xf32, #tpu.memory_space<vmem>> -> memref<128x128xf32, #tpu.memory_space<vmem>>
    %dma_start3A_24 = arith.constant 0 : i32
    %dma_start3A_25 = tpu.memref_slice %arg5[%dma_start3A_18, %dma_start3A_24] : memref<200x128xi32, #tpu.memory_space<vmem>> -> memref<1x128xi32, #tpu.memory_space<vmem>>
    %dma_start3A_26 = tpu.memref_squeeze %dma_start3A_25 : memref<1x128xi32, #tpu.memory_space<vmem>> -> memref<128xi32, #tpu.memory_space<vmem>>
    %dma_start3A_27 = arith.constant 0 : i32
    %dma_start3A_28 = arith.constant 0 : i32
    %dma_start3A_29 = tpu.memref_slice %arg3[%dma_start3A_27, %dma_start3A_28] : memref<1000000x128xf32, #tpu.memory_space<hbm>> -> memref<1000000x128xf32, #tpu.memory_space<hbm>>
    tpu.enqueue_indirect_dma source(%dma_start3A_29 : memref<1000000x128xf32, #tpu.memory_space<hbm>>) target(%dma_start3A_23 : memref<128x128xf32, #tpu.memory_space<vmem>>) offsets(%dma_start3A_26 : memref<128xi32, #tpu.memory_space<vmem>>) semaphore(%arg8 : memref<!tpu.dma_semaphore, #tpu.memory_space<semaphore_mem>>)
    %dma_start3A_30 = arith.constant 2 : i32
    %dma_start3A_31 = arith.constant 2 : i32
    %dma_start3A_32 = arith.constant 0 : i32
    %dma_start3A_33 = arith.constant 0 : i32
    %dma_start3A_34 = tpu.memref_slice %arg6[%dma_start3A_31, %dma_start3A_32, %dma_start3A_33] : memref<4x128x128xf32, #tpu.memory_space<vmem>> -> memref<1x128x128xf32, #tpu.memory_space<vmem>>
    %dma_start3A_35 = tpu.memref_squeeze %dma_start3A_34 : memref<1x128x128xf32, #tpu.memory_space<vmem>> -> memref<128x128xf32, #tpu.memory_space<vmem>>
    %dma_start3A_36 = arith.constant 0 : i32
    %dma_start3A_37 = tpu.memref_slice %arg5[%dma_start3A_30, %dma_start3A_36] : memref<200x128xi32, #tpu.memory_space<vmem>> -> memref<1x128xi32, #tpu.memory_space<vmem>>
    %dma_start3A_38 = tpu.memref_squeeze %dma_start3A_37 : memref<1x128xi32, #tpu.memory_space<vmem>> -> memref<128xi32, #tpu.memory_space<vmem>>
    %dma_start3A_39 = arith.constant 0 : i32
    %dma_start3A_40 = arith.constant 0 : i32
    %dma_start3A_41 = tpu.memref_slice %arg3[%dma_start3A_39, %dma_start3A_40] : memref<1000000x128xf32, #tpu.memory_space<hbm>> -> memref<1000000x128xf32, #tpu.memory_space<hbm>>
    tpu.enqueue_indirect_dma source(%dma_start3A_41 : memref<1000000x128xf32, #tpu.memory_space<hbm>>) target(%dma_start3A_35 : memref<128x128xf32, #tpu.memory_space<vmem>>) offsets(%dma_start3A_38 : memref<128xi32, #tpu.memory_space<vmem>>) semaphore(%arg9 : memref<!tpu.dma_semaphore, #tpu.memory_space<semaphore_mem>>)
    %scan3A = arith.constant 0 : i32
    %scan3A_42 = arith.constant 0 : i32
    %scan3A_43 = arith.constant 50 : i32
    %scan3A_44 = arith.addi %scan3A_42, %scan3A_43 : i32
    %scan3A_45 = arith.constant 1 : i32
    scf.for %scan3A_106 = %scan3A_42 to %scan3A_44 step %scan3A_45  : i32 {
      %mul3A_107 = arith.constant 4 : i32
      %mul3A_108 = arith.muli %scan3A_106, %mul3A_107 : i32
      %add3A_109 = arith.constant 0 : i32
      %add3A_110 = arith.addi %mul3A_108, %add3A_109 : i32
      %dma_wait3A_111 = arith.constant 0 : i32
      %dma_wait3A_112 = arith.constant 0 : i32
      %dma_wait3A_113 = arith.constant 0 : i32
      %dma_wait3A_114 = tpu.memref_slice %arg6[%dma_wait3A_111, %dma_wait3A_112, %dma_wait3A_113] : memref<4x128x128xf32, #tpu.memory_space<vmem>> -> memref<1x128x128xf32, #tpu.memory_space<vmem>>
      %dma_wait3A_115 = tpu.memref_squeeze %dma_wait3A_114 : memref<1x128x128xf32, #tpu.memory_space<vmem>> -> memref<128x128xf32, #tpu.memory_space<vmem>>
      %dma_wait3A_116 = arith.constant 0 : i32
      %dma_wait3A_117 = tpu.memref_slice %arg5[%add3A_110, %dma_wait3A_116] : memref<200x128xi32, #tpu.memory_space<vmem>> -> memref<1x128xi32, #tpu.memory_space<vmem>>
      %dma_wait3A_118 = tpu.memref_squeeze %dma_wait3A_117 : memref<1x128xi32, #tpu.memory_space<vmem>> -> memref<128xi32, #tpu.memory_space<vmem>>
      %dma_wait3A_119 = arith.constant 0 : i32
      %dma_wait3A_120 = arith.constant 0 : i32
      %dma_wait3A_121 = tpu.memref_slice %arg3[%dma_wait3A_119, %dma_wait3A_120] : memref<1000000x128xf32, #tpu.memory_space<hbm>> -> memref<1000000x128xf32, #tpu.memory_space<hbm>>
      tpu.wait_indirect_dma semaphore(%arg7 : memref<!tpu.dma_semaphore, #tpu.memory_space<semaphore_mem>>) src(%dma_wait3A_121 : memref<1000000x128xf32, #tpu.memory_space<hbm>>) dst(%dma_wait3A_115 : memref<128x128xf32, #tpu.memory_space<vmem>>)
      %parallel_loop3A = arith.constant 0 : i32
      %parallel_loop3A_122 = arith.constant 128 : i32
      %parallel_loop3A_123 = arith.constant 1 : i32
      scf.for %parallel_loop3A_268 = %parallel_loop3A to %parallel_loop3A_122 step %parallel_loop3A_123  : i32 {
        %parallel_loop3A_269 = arith.constant 0 : i32
        %parallel_loop3A_270 = arith.index_cast %parallel_loop3A_269 : i32 to index
        %parallel_loop3A_271 = arith.index_cast %parallel_loop3A_268 : i32 to index
        %parallel_loop3A_272 = arith.constant 0 : index
        %parallel_loop3A_273 = tpu.vector_load %arg6[%parallel_loop3A_270, %parallel_loop3A_271, %parallel_loop3A_272] {strides = array<i32>} : memref<4x128x128xf32, #tpu.memory_space<vmem>>, vector<1x1x16xf32>,
        %parallel_loop3A_274 = vector.shape_cast %parallel_loop3A_273 : vector<1x1x16xf32> to vector<16xf32>
        %parallel_loop3A_275 = arith.constant 8.000000e+00 : f32
        %parallel_loop3A_276 = vector.broadcast %parallel_loop3A_275 : f32 to vector<16xf32>
        %parallel_loop3A_277 = arith.mulf %parallel_loop3A_274, %parallel_loop3A_276 : vector<16xf32>
        %parallel_loop3A_278 = arith.constant 0 : i32
        %parallel_loop3A_279 = arith.index_cast %parallel_loop3A_278 : i32 to index
        %parallel_loop3A_280 = arith.index_cast %parallel_loop3A_268 : i32 to index
        %parallel_loop3A_281 = arith.constant 0 : index
        %parallel_loop3A_282 = tpu.vector_load %arg6[%parallel_loop3A_279, %parallel_loop3A_280, %parallel_loop3A_281] {strides = array<i32>} : memref<4x128x128xf32, #tpu.memory_space<vmem>>, vector<1x1x16xf32>,
        %parallel_loop3A_283 = vector.shape_cast %parallel_loop3A_282 : vector<1x1x16xf32> to vector<16xf32>
        %parallel_loop3A_284 = vector.shape_cast %parallel_loop3A_277 : vector<16xf32> to vector<1x1x16xf32>
        tpu.vector_store %arg6[%parallel_loop3A_279, %parallel_loop3A_280, %parallel_loop3A_281], %parallel_loop3A_284 {strides = array<i32>} : memref<4x128x128xf32, #tpu.memory_space<vmem>>, vector<1x1x16xf32>,
        %parallel_loop3A_285 = arith.constant 0 : i32
        %parallel_loop3A_286 = arith.index_cast %parallel_loop3A_285 : i32 to index
        %parallel_loop3A_287 = arith.index_cast %parallel_loop3A_268 : i32 to index
        %parallel_loop3A_288 = arith.constant 16 : index
        %parallel_loop3A_289 = tpu.vector_load %arg6[%parallel_loop3A_286, %parallel_loop3A_287, %parallel_loop3A_288] {strides = array<i32>} : memref<4x128x128xf32, #tpu.memory_space<vmem>>, vector<1x1x16xf32>,
        %parallel_loop3A_290 = vector.shape_cast %parallel_loop3A_289 : vector<1x1x16xf32> to vector<16xf32>
        %parallel_loop3A_291 = arith.constant 8.000000e+00 : f32
        %parallel_loop3A_292 = vector.broadcast %parallel_loop3A_291 : f32 to vector<16xf32>
        %parallel_loop3A_293 = arith.mulf %parallel_loop3A_290, %parallel_loop3A_292 : vector<16xf32>
        %parallel_loop3A_294 = arith.constant 0 : i32
        %parallel_loop3A_295 = arith.index_cast %parallel_loop3A_294 : i32 to index
        %parallel_loop3A_296 = arith.index_cast %parallel_loop3A_268 : i32 to index
        %parallel_loop3A_297 = arith.constant 16 : index
        %parallel_loop3A_298 = tpu.vector_load %arg6[%parallel_loop3A_295, %parallel_loop3A_296, %parallel_loop3A_297] {strides = array<i32>} : memref<4x128x128xf32, #tpu.memory_space<vmem>>, vector<1x1x16xf32>,
        %parallel_loop3A_299 = vector.shape_cast %parallel_loop3A_298 : vector<1x1x16xf32> to vector<16xf32>
        %parallel_loop3A_300 = vector.shape_cast %parallel_loop3A_293 : vector<16xf32> to vector<1x1x16xf32>
        tpu.vector_store %arg6[%parallel_loop3A_295, %parallel_loop3A_296, %parallel_loop3A_297], %parallel_loop3A_300 {strides = array<i32>} : memref<4x128x128xf32, #tpu.memory_space<vmem>>, vector<1x1x16xf32>,
        %parallel_loop3A_301 = arith.constant 0 : i32
        %parallel_loop3A_302 = arith.index_cast %parallel_loop3A_301 : i32 to index
        %parallel_loop3A_303 = arith.index_cast %parallel_loop3A_268 : i32 to index
        %parallel_loop3A_304 = arith.constant 32 : index
        %parallel_loop3A_305 = tpu.vector_load %arg6[%parallel_loop3A_302, %parallel_loop3A_303, %parallel_loop3A_304] {strides = array<i32>} : memref<4x128x128xf32, #tpu.memory_space<vmem>>, vector<1x1x16xf32>,
        %parallel_loop3A_306 = vector.shape_cast %parallel_loop3A_305 : vector<1x1x16xf32> to vector<16xf32>
        %parallel_loop3A_307 = arith.constant 8.000000e+00 : f32
        %parallel_loop3A_308 = vector.broadcast %parallel_loop3A_307 : f32 to vector<16xf32>
        %parallel_loop3A_309 = arith.mulf %parallel_loop3A_306, %parallel_loop3A_308 : vector<16xf32>
        %parallel_loop3A_310 = arith.constant 0 : i32
        %parallel_loop3A_311 = arith.index_cast %parallel_loop3A_310 : i32 to index
        %parallel_loop3A_312 = arith.index_cast %parallel_loop3A_268 : i32 to index
        %parallel_loop3A_313 = arith.constant 32 : index
        %parallel_loop3A_314 = tpu.vector_load %arg6[%parallel_loop3A_311, %parallel_loop3A_312, %parallel_loop3A_313] {strides = array<i32>} : memref<4x128x128xf32, #tpu.memory_space<vmem>>, vector<1x1x16xf32>,
        %parallel_loop3A_315 = vector.shape_cast %parallel_loop3A_314 : vector<1x1x16xf32> to vector<16xf32>
        %parallel_loop3A_316 = vector.shape_cast %parallel_loop3A_309 : vector<16xf32> to vector<1x1x16xf32>
        tpu.vector_store %arg6[%parallel_loop3A_311, %parallel_loop3A_312, %parallel_loop3A_313], %parallel_loop3A_316 {strides = array<i32>} : memref<4x128x128xf32, #tpu.memory_space<vmem>>, vector<1x1x16xf32>,
        %parallel_loop3A_317 = arith.constant 0 : i32
        %parallel_loop3A_318 = arith.index_cast %parallel_loop3A_317 : i32 to index
        %parallel_loop3A_319 = arith.index_cast %parallel_loop3A_268 : i32 to index
        %parallel_loop3A_320 = arith.constant 48 : index
        %parallel_loop3A_321 = tpu.vector_load %arg6[%parallel_loop3A_318, %parallel_loop3A_319, %parallel_loop3A_320] {strides = array<i32>} : memref<4x128x128xf32, #tpu.memory_space<vmem>>, vector<1x1x16xf32>,
        %parallel_loop3A_322 = vector.shape_cast %parallel_loop3A_321 : vector<1x1x16xf32> to vector<16xf32>
        %parallel_loop3A_323 = arith.constant 8.000000e+00 : f32
        %parallel_loop3A_324 = vector.broadcast %parallel_loop3A_323 : f32 to vector<16xf32>
        %parallel_loop3A_325 = arith.mulf %parallel_loop3A_322, %parallel_loop3A_324 : vector<16xf32>
        %parallel_loop3A_326 = arith.constant 0 : i32
        %parallel_loop3A_327 = arith.index_cast %parallel_loop3A_326 : i32 to index
        %parallel_loop3A_328 = arith.index_cast %parallel_loop3A_268 : i32 to index
        %parallel_loop3A_329 = arith.constant 48 : index
        %parallel_loop3A_330 = tpu.vector_load %arg6[%parallel_loop3A_327, %parallel_loop3A_328, %parallel_loop3A_329] {strides = array<i32>} : memref<4x128x128xf32, #tpu.memory_space<vmem>>, vector<1x1x16xf32>,
        %parallel_loop3A_331 = vector.shape_cast %parallel_loop3A_330 : vector<1x1x16xf32> to vector<16xf32>
        %parallel_loop3A_332 = vector.shape_cast %parallel_loop3A_325 : vector<16xf32> to vector<1x1x16xf32>
        tpu.vector_store %arg6[%parallel_loop3A_327, %parallel_loop3A_328, %parallel_loop3A_329], %parallel_loop3A_332 {strides = array<i32>} : memref<4x128x128xf32, #tpu.memory_space<vmem>>, vector<1x1x16xf32>,
      } {sc.loop_unroll_factor = 8 : i64, sc.parallel_access}
      %mul3A_124 = arith.constant 128 : i32
      %mul3A_125 = arith.muli %add3A_110, %mul3A_124 : i32
      %add3A_126 = arith.addi %mul3A_6, %mul3A_125 : i32
      %dma_start3A_127 = arith.constant 0 : i32
      %dma_start3A_128 = arith.constant 0 : i32
      %dma_start3A_129 = arith.constant 0 : i32
      %dma_start3A_130 = tpu.memref_slice %arg6[%dma_start3A_127, %dma_start3A_128, %dma_start3A_129] : memref<4x128x128xf32, #tpu.memory_space<vmem>> -> memref<1x128x128xf32, #tpu.memory_space<vmem>>
      %dma_start3A_131 = tpu.memref_squeeze %dma_start3A_130 : memref<1x128x128xf32, #tpu.memory_space<vmem>> -> memref<128x128xf32, #tpu.memory_space<vmem>>
      %dma_start3A_132 = arith.constant 0 : i32
      %dma_start3A_133 = tpu.memref_slice %arg4[%add3A_126, %dma_start3A_132] : memref<819200x128xf32, #tpu.memory_space<hbm>> -> memref<128x128xf32, #tpu.memory_space<hbm>>
      %dma_start3A_134 = arith.constant 0 : i32
      %dma_start3A_135 = tpu.memref_slice %arg4[%add3A_126, %dma_start3A_134] : memref<819200x128xf32, #tpu.memory_space<hbm>> -> memref<128x128xf32, #tpu.memory_space<hbm>>
      %dma_start3A_136 = arith.constant 0 : i32
      %dma_start3A_137 = arith.constant 0 : i32
      %dma_start3A_138 = tpu.memref_slice %arg6[%dma_start3A_127, %dma_start3A_136, %dma_start3A_137] : memref<4x128x128xf32, #tpu.memory_space<vmem>> -> memref<1x128x128xf32, #tpu.memory_space<vmem>>
      %dma_start3A_139 = tpu.memref_squeeze %dma_start3A_138 : memref<1x128x128xf32, #tpu.memory_space<vmem>> -> memref<128x128xf32, #tpu.memory_space<vmem>>
      tpu.enqueue_dma source(%dma_start3A_139 : memref<128x128xf32, #tpu.memory_space<vmem>>) target(%dma_start3A_135 : memref<128x128xf32, #tpu.memory_space<hbm>>) target_semaphore(%arg11 : memref<!tpu.dma_semaphore, #tpu.memory_space<semaphore_mem>>)
      %add3A_140 = arith.constant 4 : i32
      %add3A_141 = arith.addi %add3A_110, %add3A_140 : i32
      %sub3A = arith.constant 1 : i32
      %sub3A_142 = arith.subi %add3A_141, %sub3A : i32
      %lt3A = arith.constant 200 : i32
      %lt3A_143 = arith.cmpi slt, %sub3A_142, %lt3A : i32
      %convert_element_type3A = arith.extui %lt3A_143 : i1 to i32
      %cond3A = arith.constant 0 : i32
      %cond3A_144 = arith.cmpi ne, %convert_element_type3A, %cond3A : i32
      scf.if %cond3A_144 {
        %ge3A = arith.constant 1 : i32
        %ge3A_268 = arith.cmpi sge, %add3A_110, %ge3A : i32
        %convert_element_type3A_269 = arith.extui %ge3A_268 : i1 to i32
        %cond3A_270 = arith.constant 0 : i32
        %cond3A_271 = arith.cmpi ne, %convert_element_type3A_269, %cond3A_270 : i32
        scf.if %cond3A_271 {
          %sub3A_287 = arith.constant 1 : i32
          %sub3A_288 = arith.subi %add3A_110, %sub3A_287 : i32
          %mul3A_289 = arith.constant 128 : i32
          %mul3A_290 = arith.muli %sub3A_288, %mul3A_289 : i32
          %add3A_291 = arith.addi %mul3A_6, %mul3A_290 : i32
          %dma_wait3A_292 = arith.constant 3 : i32
          %dma_wait3A_293 = arith.constant 0 : i32
          %dma_wait3A_294 = arith.constant 0 : i32
          %dma_wait3A_295 = tpu.memref_slice %arg6[%dma_wait3A_292, %dma_wait3A_293, %dma_wait3A_294] : memref<4x128x128xf32, #tpu.memory_space<vmem>> -> memref<1x128x128xf32, #tpu.memory_space<vmem>>
          %dma_wait3A_296 = tpu.memref_squeeze %dma_wait3A_295 : memref<1x128x128xf32, #tpu.memory_space<vmem>> -> memref<128x128xf32, #tpu.memory_space<vmem>>
          %dma_wait3A_297 = arith.constant 0 : i32
          %dma_wait3A_298 = tpu.memref_slice %arg4[%add3A_291, %dma_wait3A_297] : memref<819200x128xf32, #tpu.memory_space<hbm>> -> memref<128x128xf32, #tpu.memory_space<hbm>>
          %dma_wait3A_299 = arith.constant 0 : i32
          %dma_wait3A_300 = tpu.memref_slice %arg4[%add3A_291, %dma_wait3A_299] : memref<819200x128xf32, #tpu.memory_space<hbm>> -> memref<128x128xf32, #tpu.memory_space<hbm>>
          %dma_wait3A_301 = arith.constant 0 : i32
          %dma_wait3A_302 = arith.constant 0 : i32
          %dma_wait3A_303 = tpu.memref_slice %arg6[%dma_wait3A_292, %dma_wait3A_301, %dma_wait3A_302] : memref<4x128x128xf32, #tpu.memory_space<vmem>> -> memref<1x128x128xf32, #tpu.memory_space<vmem>>
          %dma_wait3A_304 = tpu.memref_squeeze %dma_wait3A_303 : memref<1x128x128xf32, #tpu.memory_space<vmem>> -> memref<128x128xf32, #tpu.memory_space<vmem>>
          tpu.wait_dma2 semaphore(%arg14 : memref<!tpu.dma_semaphore, #tpu.memory_space<semaphore_mem>>) src(%dma_wait3A_304 : memref<128x128xf32, #tpu.memory_space<vmem>>) dst(%dma_wait3A_300 : memref<128x128xf32, #tpu.memory_space<hbm>>)
        } else {
        }
        %add3A_272 = arith.constant 4 : i32
        %add3A_273 = arith.addi %add3A_110, %add3A_272 : i32
        %sub3A_274 = arith.constant 1 : i32
        %sub3A_275 = arith.subi %add3A_273, %sub3A_274 : i32
        %dma_start3A_276 = arith.constant 3 : i32
        %dma_start3A_277 = arith.constant 0 : i32
        %dma_start3A_278 = arith.constant 0 : i32
        %dma_start3A_279 = tpu.memref_slice %arg6[%dma_start3A_276, %dma_start3A_277, %dma_start3A_278] : memref<4x128x128xf32, #tpu.memory_space<vmem>> -> memref<1x128x128xf32, #tpu.memory_space<vmem>>
        %dma_start3A_280 = tpu.memref_squeeze %dma_start3A_279 : memref<1x128x128xf32, #tpu.memory_space<vmem>> -> memref<128x128xf32, #tpu.memory_space<vmem>>
        %dma_start3A_281 = arith.constant 0 : i32
        %dma_start3A_282 = tpu.memref_slice %arg5[%sub3A_275, %dma_start3A_281] : memref<200x128xi32, #tpu.memory_space<vmem>> -> memref<1x128xi32, #tpu.memory_space<vmem>>
        %dma_start3A_283 = tpu.memref_squeeze %dma_start3A_282 : memref<1x128xi32, #tpu.memory_space<vmem>> -> memref<128xi32, #tpu.memory_space<vmem>>
        %dma_start3A_284 = arith.constant 0 : i32
        %dma_start3A_285 = arith.constant 0 : i32
        %dma_start3A_286 = tpu.memref_slice %arg3[%dma_start3A_284, %dma_start3A_285] : memref<1000000x128xf32, #tpu.memory_space<hbm>> -> memref<1000000x128xf32, #tpu.memory_space<hbm>>
        tpu.enqueue_indirect_dma source(%dma_start3A_286 : memref<1000000x128xf32, #tpu.memory_space<hbm>>) target(%dma_start3A_280 : memref<128x128xf32, #tpu.memory_space<vmem>>) offsets(%dma_start3A_283 : memref<128xi32, #tpu.memory_space<vmem>>) semaphore(%arg10 : memref<!tpu.dma_semaphore, #tpu.memory_space<semaphore_mem>>)
      } else {
      }
      %add3A_145 = arith.constant 1 : i32
      %add3A_146 = arith.addi %mul3A_108, %add3A_145 : i32
      %dma_wait3A_147 = arith.constant 1 : i32
      %dma_wait3A_148 = arith.constant 0 : i32
      %dma_wait3A_149 = arith.constant 0 : i32
      %dma_wait3A_150 = tpu.memref_slice %arg6[%dma_wait3A_147, %dma_wait3A_148, %dma_wait3A_149] : memref<4x128x128xf32, #tpu.memory_space<vmem>> -> memref<1x128x128xf32, #tpu.memory_space<vmem>>
      %dma_wait3A_151 = tpu.memref_squeeze %dma_wait3A_150 : memref<1x128x128xf32, #tpu.memory_space<vmem>> -> memref<128x128xf32, #tpu.memory_space<vmem>>
      %dma_wait3A_152 = arith.constant 0 : i32
      %dma_wait3A_153 = tpu.memref_slice %arg5[%add3A_146, %dma_wait3A_152] : memref<200x128xi32, #tpu.memory_space<vmem>> -> memref<1x128xi32, #tpu.memory_space<vmem>>
      %dma_wait3A_154 = tpu.memref_squeeze %dma_wait3A_153 : memref<1x128xi32, #tpu.memory_space<vmem>> -> memref<128xi32, #tpu.memory_space<vmem>>
      %dma_wait3A_155 = arith.constant 0 : i32
      %dma_wait3A_156 = arith.constant 0 : i32
      %dma_wait3A_157 = tpu.memref_slice %arg3[%dma_wait3A_155, %dma_wait3A_156] : memref<1000000x128xf32, #tpu.memory_space<hbm>> -> memref<1000000x128xf32, #tpu.memory_space<hbm>>
      tpu.wait_indirect_dma semaphore(%arg8 : memref<!tpu.dma_semaphore, #tpu.memory_space<semaphore_mem>>) src(%dma_wait3A_157 : memref<1000000x128xf32, #tpu.memory_space<hbm>>) dst(%dma_wait3A_151 : memref<128x128xf32, #tpu.memory_space<vmem>>)
      %parallel_loop3A_158 = arith.constant 0 : i32
      %parallel_loop3A_159 = arith.constant 128 : i32
      %parallel_loop3A_160 = arith.constant 1 : i32
      scf.for %parallel_loop3A_268 = %parallel_loop3A_158 to %parallel_loop3A_159 step %parallel_loop3A_160  : i32 {
        %parallel_loop3A_269 = arith.constant 1 : i32
        %parallel_loop3A_270 = arith.index_cast %parallel_loop3A_269 : i32 to index
        %parallel_loop3A_271 = arith.index_cast %parallel_loop3A_268 : i32 to index
        %parallel_loop3A_272 = arith.constant 0 : index
        %parallel_loop3A_273 = tpu.vector_load %arg6[%parallel_loop3A_270, %parallel_loop3A_271, %parallel_loop3A_272] {strides = array<i32>} : memref<4x128x128xf32, #tpu.memory_space<vmem>>, vector<1x1x16xf32>,
        %parallel_loop3A_274 = vector.shape_cast %parallel_loop3A_273 : vector<1x1x16xf32> to vector<16xf32>
        %parallel_loop3A_275 = arith.constant 8.000000e+00 : f32
        %parallel_loop3A_276 = vector.broadcast %parallel_loop3A_275 : f32 to vector<16xf32>
        %parallel_loop3A_277 = arith.mulf %parallel_loop3A_274, %parallel_loop3A_276 : vector<16xf32>
        %parallel_loop3A_278 = arith.constant 1 : i32
        %parallel_loop3A_279 = arith.index_cast %parallel_loop3A_278 : i32 to index
        %parallel_loop3A_280 = arith.index_cast %parallel_loop3A_268 : i32 to index
        %parallel_loop3A_281 = arith.constant 0 : index
        %parallel_loop3A_282 = tpu.vector_load %arg6[%parallel_loop3A_279, %parallel_loop3A_280, %parallel_loop3A_281] {strides = array<i32>} : memref<4x128x128xf32, #tpu.memory_space<vmem>>, vector<1x1x16xf32>,
        %parallel_loop3A_283 = vector.shape_cast %parallel_loop3A_282 : vector<1x1x16xf32> to vector<16xf32>
        %parallel_loop3A_284 = vector.shape_cast %parallel_loop3A_277 : vector<16xf32> to vector<1x1x16xf32>
        tpu.vector_store %arg6[%parallel_loop3A_279, %parallel_loop3A_280, %parallel_loop3A_281], %parallel_loop3A_284 {strides = array<i32>} : memref<4x128x128xf32, #tpu.memory_space<vmem>>, vector<1x1x16xf32>,
        %parallel_loop3A_285 = arith.constant 1 : i32
        %parallel_loop3A_286 = arith.index_cast %parallel_loop3A_285 : i32 to index
        %parallel_loop3A_287 = arith.index_cast %parallel_loop3A_268 : i32 to index
        %parallel_loop3A_288 = arith.constant 16 : index
        %parallel_loop3A_289 = tpu.vector_load %arg6[%parallel_loop3A_286, %parallel_loop3A_287, %parallel_loop3A_288] {strides = array<i32>} : memref<4x128x128xf32, #tpu.memory_space<vmem>>, vector<1x1x16xf32>,
        %parallel_loop3A_290 = vector.shape_cast %parallel_loop3A_289 : vector<1x1x16xf32> to vector<16xf32>
        %parallel_loop3A_291 = arith.constant 8.000000e+00 : f32
        %parallel_loop3A_292 = vector.broadcast %parallel_loop3A_291 : f32 to vector<16xf32>
        %parallel_loop3A_293 = arith.mulf %parallel_loop3A_290, %parallel_loop3A_292 : vector<16xf32>
        %parallel_loop3A_294 = arith.constant 1 : i32
        %parallel_loop3A_295 = arith.index_cast %parallel_loop3A_294 : i32 to index
        %parallel_loop3A_296 = arith.index_cast %parallel_loop3A_268 : i32 to index
        %parallel_loop3A_297 = arith.constant 16 : index
        %parallel_loop3A_298 = tpu.vector_load %arg6[%parallel_loop3A_295, %parallel_loop3A_296, %parallel_loop3A_297] {strides = array<i32>} : memref<4x128x128xf32, #tpu.memory_space<vmem>>, vector<1x1x16xf32>,
        %parallel_loop3A_299 = vector.shape_cast %parallel_loop3A_298 : vector<1x1x16xf32> to vector<16xf32>
        %parallel_loop3A_300 = vector.shape_cast %parallel_loop3A_293 : vector<16xf32> to vector<1x1x16xf32>
        tpu.vector_store %arg6[%parallel_loop3A_295, %parallel_loop3A_296, %parallel_loop3A_297], %parallel_loop3A_300 {strides = array<i32>} : memref<4x128x128xf32, #tpu.memory_space<vmem>>, vector<1x1x16xf32>,
        %parallel_loop3A_301 = arith.constant 1 : i32
        %parallel_loop3A_302 = arith.index_cast %parallel_loop3A_301 : i32 to index
        %parallel_loop3A_303 = arith.index_cast %parallel_loop3A_268 : i32 to index
        %parallel_loop3A_304 = arith.constant 32 : index
        %parallel_loop3A_305 = tpu.vector_load %arg6[%parallel_loop3A_302, %parallel_loop3A_303, %parallel_loop3A_304] {strides = array<i32>} : memref<4x128x128xf32, #tpu.memory_space<vmem>>, vector<1x1x16xf32>,
        %parallel_loop3A_306 = vector.shape_cast %parallel_loop3A_305 : vector<1x1x16xf32> to vector<16xf32>
        %parallel_loop3A_307 = arith.constant 8.000000e+00 : f32
        %parallel_loop3A_308 = vector.broadcast %parallel_loop3A_307 : f32 to vector<16xf32>
        %parallel_loop3A_309 = arith.mulf %parallel_loop3A_306, %parallel_loop3A_308 : vector<16xf32>
        %parallel_loop3A_310 = arith.constant 1 : i32
        %parallel_loop3A_311 = arith.index_cast %parallel_loop3A_310 : i32 to index
        %parallel_loop3A_312 = arith.index_cast %parallel_loop3A_268 : i32 to index
        %parallel_loop3A_313 = arith.constant 32 : index
        %parallel_loop3A_314 = tpu.vector_load %arg6[%parallel_loop3A_311, %parallel_loop3A_312, %parallel_loop3A_313] {strides = array<i32>} : memref<4x128x128xf32, #tpu.memory_space<vmem>>, vector<1x1x16xf32>,
        %parallel_loop3A_315 = vector.shape_cast %parallel_loop3A_314 : vector<1x1x16xf32> to vector<16xf32>
        %parallel_loop3A_316 = vector.shape_cast %parallel_loop3A_309 : vector<16xf32> to vector<1x1x16xf32>
        tpu.vector_store %arg6[%parallel_loop3A_311, %parallel_loop3A_312, %parallel_loop3A_313], %parallel_loop3A_316 {strides = array<i32>} : memref<4x128x128xf32, #tpu.memory_space<vmem>>, vector<1x1x16xf32>,
        %parallel_loop3A_317 = arith.constant 1 : i32
        %parallel_loop3A_318 = arith.index_cast %parallel_loop3A_317 : i32 to index
        %parallel_loop3A_319 = arith.index_cast %parallel_loop3A_268 : i32 to index
        %parallel_loop3A_320 = arith.constant 48 : index
        %parallel_loop3A_321 = tpu.vector_load %arg6[%parallel_loop3A_318, %parallel_loop3A_319, %parallel_loop3A_320] {strides = array<i32>} : memref<4x128x128xf32, #tpu.memory_space<vmem>>, vector<1x1x16xf32>,
        %parallel_loop3A_322 = vector.shape_cast %parallel_loop3A_321 : vector<1x1x16xf32> to vector<16xf32>
        %parallel_loop3A_323 = arith.constant 8.000000e+00 : f32
        %parallel_loop3A_324 = vector.broadcast %parallel_loop3A_323 : f32 to vector<16xf32>
        %parallel_loop3A_325 = arith.mulf %parallel_loop3A_322, %parallel_loop3A_324 : vector<16xf32>
        %parallel_loop3A_326 = arith.constant 1 : i32
        %parallel_loop3A_327 = arith.index_cast %parallel_loop3A_326 : i32 to index
        %parallel_loop3A_328 = arith.index_cast %parallel_loop3A_268 : i32 to index
        %parallel_loop3A_329 = arith.constant 48 : index
        %parallel_loop3A_330 = tpu.vector_load %arg6[%parallel_loop3A_327, %parallel_loop3A_328, %parallel_loop3A_329] {strides = array<i32>} : memref<4x128x128xf32, #tpu.memory_space<vmem>>, vector<1x1x16xf32>,
        %parallel_loop3A_331 = vector.shape_cast %parallel_loop3A_330 : vector<1x1x16xf32> to vector<16xf32>
        %parallel_loop3A_332 = vector.shape_cast %parallel_loop3A_325 : vector<16xf32> to vector<1x1x16xf32>
        tpu.vector_store %arg6[%parallel_loop3A_327, %parallel_loop3A_328, %parallel_loop3A_329], %parallel_loop3A_332 {strides = array<i32>} : memref<4x128x128xf32, #tpu.memory_space<vmem>>, vector<1x1x16xf32>,
      } {sc.loop_unroll_factor = 8 : i64, sc.parallel_access}
      %mul3A_161 = arith.constant 128 : i32
      %mul3A_162 = arith.muli %add3A_146, %mul3A_161 : i32
      %add3A_163 = arith.addi %mul3A_6, %mul3A_162 : i32
      %dma_start3A_164 = arith.constant 1 : i32
      %dma_start3A_165 = arith.constant 0 : i32
      %dma_start3A_166 = arith.constant 0 : i32
      %dma_start3A_167 = tpu.memref_slice %arg6[%dma_start3A_164, %dma_start3A_165, %dma_start3A_166] : memref<4x128x128xf32, #tpu.memory_space<vmem>> -> memref<1x128x128xf32, #tpu.memory_space<vmem>>
      %dma_start3A_168 = tpu.memref_squeeze %dma_start3A_167 : memref<1x128x128xf32, #tpu.memory_space<vmem>> -> memref<128x128xf32, #tpu.memory_space<vmem>>
      %dma_start3A_169 = arith.constant 0 : i32
      %dma_start3A_170 = tpu.memref_slice %arg4[%add3A_163, %dma_start3A_169] : memref<819200x128xf32, #tpu.memory_space<hbm>> -> memref<128x128xf32, #tpu.memory_space<hbm>>
      %dma_start3A_171 = arith.constant 0 : i32
      %dma_start3A_172 = tpu.memref_slice %arg4[%add3A_163, %dma_start3A_171] : memref<819200x128xf32, #tpu.memory_space<hbm>> -> memref<128x128xf32, #tpu.memory_space<hbm>>
      %dma_start3A_173 = arith.constant 0 : i32
      %dma_start3A_174 = arith.constant 0 : i32
      %dma_start3A_175 = tpu.memref_slice %arg6[%dma_start3A_164, %dma_start3A_173, %dma_start3A_174] : memref<4x128x128xf32, #tpu.memory_space<vmem>> -> memref<1x128x128xf32, #tpu.memory_space<vmem>>
      %dma_start3A_176 = tpu.memref_squeeze %dma_start3A_175 : memref<1x128x128xf32, #tpu.memory_space<vmem>> -> memref<128x128xf32, #tpu.memory_space<vmem>>
      tpu.enqueue_dma source(%dma_start3A_176 : memref<128x128xf32, #tpu.memory_space<vmem>>) target(%dma_start3A_172 : memref<128x128xf32, #tpu.memory_space<hbm>>) target_semaphore(%arg12 : memref<!tpu.dma_semaphore, #tpu.memory_space<semaphore_mem>>)
      %add3A_177 = arith.constant 4 : i32
      %add3A_178 = arith.addi %add3A_146, %add3A_177 : i32
      %sub3A_179 = arith.constant 1 : i32
      %sub3A_180 = arith.subi %add3A_178, %sub3A_179 : i32
      %lt3A_181 = arith.constant 200 : i32
      %lt3A_182 = arith.cmpi slt, %sub3A_180, %lt3A_181 : i32
      %convert_element_type3A_183 = arith.extui %lt3A_182 : i1 to i32
      %cond3A_184 = arith.constant 0 : i32
      %cond3A_185 = arith.cmpi ne, %convert_element_type3A_183, %cond3A_184 : i32
      scf.if %cond3A_185 {
        %ge3A = arith.constant 1 : i32
        %ge3A_268 = arith.cmpi sge, %add3A_146, %ge3A : i32
        %convert_element_type3A_269 = arith.extui %ge3A_268 : i1 to i32
        %cond3A_270 = arith.constant 0 : i32
        %cond3A_271 = arith.cmpi ne, %convert_element_type3A_269, %cond3A_270 : i32
        scf.if %cond3A_271 {
          %sub3A_287 = arith.constant 1 : i32
          %sub3A_288 = arith.subi %add3A_146, %sub3A_287 : i32
          %mul3A_289 = arith.constant 128 : i32
          %mul3A_290 = arith.muli %sub3A_288, %mul3A_289 : i32
          %add3A_291 = arith.addi %mul3A_6, %mul3A_290 : i32
          %dma_wait3A_292 = arith.constant 0 : i32
          %dma_wait3A_293 = arith.constant 0 : i32
          %dma_wait3A_294 = arith.constant 0 : i32
          %dma_wait3A_295 = tpu.memref_slice %arg6[%dma_wait3A_292, %dma_wait3A_293, %dma_wait3A_294] : memref<4x128x128xf32, #tpu.memory_space<vmem>> -> memref<1x128x128xf32, #tpu.memory_space<vmem>>
          %dma_wait3A_296 = tpu.memref_squeeze %dma_wait3A_295 : memref<1x128x128xf32, #tpu.memory_space<vmem>> -> memref<128x128xf32, #tpu.memory_space<vmem>>
          %dma_wait3A_297 = arith.constant 0 : i32
          %dma_wait3A_298 = tpu.memref_slice %arg4[%add3A_291, %dma_wait3A_297] : memref<819200x128xf32, #tpu.memory_space<hbm>> -> memref<128x128xf32, #tpu.memory_space<hbm>>
          %dma_wait3A_299 = arith.constant 0 : i32
          %dma_wait3A_300 = tpu.memref_slice %arg4[%add3A_291, %dma_wait3A_299] : memref<819200x128xf32, #tpu.memory_space<hbm>> -> memref<128x128xf32, #tpu.memory_space<hbm>>
          %dma_wait3A_301 = arith.constant 0 : i32
          %dma_wait3A_302 = arith.constant 0 : i32
          %dma_wait3A_303 = tpu.memref_slice %arg6[%dma_wait3A_292, %dma_wait3A_301, %dma_wait3A_302] : memref<4x128x128xf32, #tpu.memory_space<vmem>> -> memref<1x128x128xf32, #tpu.memory_space<vmem>>
          %dma_wait3A_304 = tpu.memref_squeeze %dma_wait3A_303 : memref<1x128x128xf32, #tpu.memory_space<vmem>> -> memref<128x128xf32, #tpu.memory_space<vmem>>
          tpu.wait_dma2 semaphore(%arg11 : memref<!tpu.dma_semaphore, #tpu.memory_space<semaphore_mem>>) src(%dma_wait3A_304 : memref<128x128xf32, #tpu.memory_space<vmem>>) dst(%dma_wait3A_300 : memref<128x128xf32, #tpu.memory_space<hbm>>)
        } else {
        }
        %add3A_272 = arith.constant 4 : i32
        %add3A_273 = arith.addi %add3A_146, %add3A_272 : i32
        %sub3A_274 = arith.constant 1 : i32
        %sub3A_275 = arith.subi %add3A_273, %sub3A_274 : i32
        %dma_start3A_276 = arith.constant 0 : i32
        %dma_start3A_277 = arith.constant 0 : i32
        %dma_start3A_278 = arith.constant 0 : i32
        %dma_start3A_279 = tpu.memref_slice %arg6[%dma_start3A_276, %dma_start3A_277, %dma_start3A_278] : memref<4x128x128xf32, #tpu.memory_space<vmem>> -> memref<1x128x128xf32, #tpu.memory_space<vmem>>
        %dma_start3A_280 = tpu.memref_squeeze %dma_start3A_279 : memref<1x128x128xf32, #tpu.memory_space<vmem>> -> memref<128x128xf32, #tpu.memory_space<vmem>>
        %dma_start3A_281 = arith.constant 0 : i32
        %dma_start3A_282 = tpu.memref_slice %arg5[%sub3A_275, %dma_start3A_281] : memref<200x128xi32, #tpu.memory_space<vmem>> -> memref<1x128xi32, #tpu.memory_space<vmem>>
        %dma_start3A_283 = tpu.memref_squeeze %dma_start3A_282 : memref<1x128xi32, #tpu.memory_space<vmem>> -> memref<128xi32, #tpu.memory_space<vmem>>
        %dma_start3A_284 = arith.constant 0 : i32
        %dma_start3A_285 = arith.constant 0 : i32
        %dma_start3A_286 = tpu.memref_slice %arg3[%dma_start3A_284, %dma_start3A_285] : memref<1000000x128xf32, #tpu.memory_space<hbm>> -> memref<1000000x128xf32, #tpu.memory_space<hbm>>
        tpu.enqueue_indirect_dma source(%dma_start3A_286 : memref<1000000x128xf32, #tpu.memory_space<hbm>>) target(%dma_start3A_280 : memref<128x128xf32, #tpu.memory_space<vmem>>) offsets(%dma_start3A_283 : memref<128xi32, #tpu.memory_space<vmem>>) semaphore(%arg7 : memref<!tpu.dma_semaphore, #tpu.memory_space<semaphore_mem>>)
      } else {
      }
      %add3A_186 = arith.constant 2 : i32
      %add3A_187 = arith.addi %mul3A_108, %add3A_186 : i32
      %dma_wait3A_188 = arith.constant 2 : i32
      %dma_wait3A_189 = arith.constant 0 : i32
      %dma_wait3A_190 = arith.constant 0 : i32
      %dma_wait3A_191 = tpu.memref_slice %arg6[%dma_wait3A_188, %dma_wait3A_189, %dma_wait3A_190] : memref<4x128x128xf32, #tpu.memory_space<vmem>> -> memref<1x128x128xf32, #tpu.memory_space<vmem>>
      %dma_wait3A_192 = tpu.memref_squeeze %dma_wait3A_191 : memref<1x128x128xf32, #tpu.memory_space<vmem>> -> memref<128x128xf32, #tpu.memory_space<vmem>>
      %dma_wait3A_193 = arith.constant 0 : i32
      %dma_wait3A_194 = tpu.memref_slice %arg5[%add3A_187, %dma_wait3A_193] : memref<200x128xi32, #tpu.memory_space<vmem>> -> memref<1x128xi32, #tpu.memory_space<vmem>>
      %dma_wait3A_195 = tpu.memref_squeeze %dma_wait3A_194 : memref<1x128xi32, #tpu.memory_space<vmem>> -> memref<128xi32, #tpu.memory_space<vmem>>
      %dma_wait3A_196 = arith.constant 0 : i32
      %dma_wait3A_197 = arith.constant 0 : i32
      %dma_wait3A_198 = tpu.memref_slice %arg3[%dma_wait3A_196, %dma_wait3A_197] : memref<1000000x128xf32, #tpu.memory_space<hbm>> -> memref<1000000x128xf32, #tpu.memory_space<hbm>>
      tpu.wait_indirect_dma semaphore(%arg9 : memref<!tpu.dma_semaphore, #tpu.memory_space<semaphore_mem>>) src(%dma_wait3A_198 : memref<1000000x128xf32, #tpu.memory_space<hbm>>) dst(%dma_wait3A_192 : memref<128x128xf32, #tpu.memory_space<vmem>>)
      %parallel_loop3A_199 = arith.constant 0 : i32
      %parallel_loop3A_200 = arith.constant 128 : i32
      %parallel_loop3A_201 = arith.constant 1 : i32
      scf.for %parallel_loop3A_268 = %parallel_loop3A_199 to %parallel_loop3A_200 step %parallel_loop3A_201  : i32 {
        %parallel_loop3A_269 = arith.constant 2 : i32
        %parallel_loop3A_270 = arith.index_cast %parallel_loop3A_269 : i32 to index
        %parallel_loop3A_271 = arith.index_cast %parallel_loop3A_268 : i32 to index
        %parallel_loop3A_272 = arith.constant 0 : index
        %parallel_loop3A_273 = tpu.vector_load %arg6[%parallel_loop3A_270, %parallel_loop3A_271, %parallel_loop3A_272] {strides = array<i32>} : memref<4x128x128xf32, #tpu.memory_space<vmem>>, vector<1x1x16xf32>,
        %parallel_loop3A_274 = vector.shape_cast %parallel_loop3A_273 : vector<1x1x16xf32> to vector<16xf32>
        %parallel_loop3A_275 = arith.constant 8.000000e+00 : f32
        %parallel_loop3A_276 = vector.broadcast %parallel_loop3A_275 : f32 to vector<16xf32>
        %parallel_loop3A_277 = arith.mulf %parallel_loop3A_274, %parallel_loop3A_276 : vector<16xf32>
        %parallel_loop3A_278 = arith.constant 2 : i32
        %parallel_loop3A_279 = arith.index_cast %parallel_loop3A_278 : i32 to index
        %parallel_loop3A_280 = arith.index_cast %parallel_loop3A_268 : i32 to index
        %parallel_loop3A_281 = arith.constant 0 : index
        %parallel_loop3A_282 = tpu.vector_load %arg6[%parallel_loop3A_279, %parallel_loop3A_280, %parallel_loop3A_281] {strides = array<i32>} : memref<4x128x128xf32, #tpu.memory_space<vmem>>, vector<1x1x16xf32>,
        %parallel_loop3A_283 = vector.shape_cast %parallel_loop3A_282 : vector<1x1x16xf32> to vector<16xf32>
        %parallel_loop3A_284 = vector.shape_cast %parallel_loop3A_277 : vector<16xf32> to vector<1x1x16xf32>
        tpu.vector_store %arg6[%parallel_loop3A_279, %parallel_loop3A_280, %parallel_loop3A_281], %parallel_loop3A_284 {strides = array<i32>} : memref<4x128x128xf32, #tpu.memory_space<vmem>>, vector<1x1x16xf32>,
        %parallel_loop3A_285 = arith.constant 2 : i32
        %parallel_loop3A_286 = arith.index_cast %parallel_loop3A_285 : i32 to index
        %parallel_loop3A_287 = arith.index_cast %parallel_loop3A_268 : i32 to index
        %parallel_loop3A_288 = arith.constant 16 : index
        %parallel_loop3A_289 = tpu.vector_load %arg6[%parallel_loop3A_286, %parallel_loop3A_287, %parallel_loop3A_288] {strides = array<i32>} : memref<4x128x128xf32, #tpu.memory_space<vmem>>, vector<1x1x16xf32>,
        %parallel_loop3A_290 = vector.shape_cast %parallel_loop3A_289 : vector<1x1x16xf32> to vector<16xf32>
        %parallel_loop3A_291 = arith.constant 8.000000e+00 : f32
        %parallel_loop3A_292 = vector.broadcast %parallel_loop3A_291 : f32 to vector<16xf32>
        %parallel_loop3A_293 = arith.mulf %parallel_loop3A_290, %parallel_loop3A_292 : vector<16xf32>
        %parallel_loop3A_294 = arith.constant 2 : i32
        %parallel_loop3A_295 = arith.index_cast %parallel_loop3A_294 : i32 to index
        %parallel_loop3A_296 = arith.index_cast %parallel_loop3A_268 : i32 to index
        %parallel_loop3A_297 = arith.constant 16 : index
        %parallel_loop3A_298 = tpu.vector_load %arg6[%parallel_loop3A_295, %parallel_loop3A_296, %parallel_loop3A_297] {strides = array<i32>} : memref<4x128x128xf32, #tpu.memory_space<vmem>>, vector<1x1x16xf32>,
        %parallel_loop3A_299 = vector.shape_cast %parallel_loop3A_298 : vector<1x1x16xf32> to vector<16xf32>
        %parallel_loop3A_300 = vector.shape_cast %parallel_loop3A_293 : vector<16xf32> to vector<1x1x16xf32>
        tpu.vector_store %arg6[%parallel_loop3A_295, %parallel_loop3A_296, %parallel_loop3A_297], %parallel_loop3A_300 {strides = array<i32>} : memref<4x128x128xf32, #tpu.memory_space<vmem>>, vector<1x1x16xf32>,
        %parallel_loop3A_301 = arith.constant 2 : i32
        %parallel_loop3A_302 = arith.index_cast %parallel_loop3A_301 : i32 to index
        %parallel_loop3A_303 = arith.index_cast %parallel_loop3A_268 : i32 to index
        %parallel_loop3A_304 = arith.constant 32 : index
        %parallel_loop3A_305 = tpu.vector_load %arg6[%parallel_loop3A_302, %parallel_loop3A_303, %parallel_loop3A_304] {strides = array<i32>} : memref<4x128x128xf32, #tpu.memory_space<vmem>>, vector<1x1x16xf32>,
        %parallel_loop3A_306 = vector.shape_cast %parallel_loop3A_305 : vector<1x1x16xf32> to vector<16xf32>
        %parallel_loop3A_307 = arith.constant 8.000000e+00 : f32
        %parallel_loop3A_308 = vector.broadcast %parallel_loop3A_307 : f32 to vector<16xf32>
        %parallel_loop3A_309 = arith.mulf %parallel_loop3A_306, %parallel_loop3A_308 : vector<16xf32>
        %parallel_loop3A_310 = arith.constant 2 : i32
        %parallel_loop3A_311 = arith.index_cast %parallel_loop3A_310 : i32 to index
        %parallel_loop3A_312 = arith.index_cast %parallel_loop3A_268 : i32 to index
        %parallel_loop3A_313 = arith.constant 32 : index
        %parallel_loop3A_314 = tpu.vector_load %arg6[%parallel_loop3A_311, %parallel_loop3A_312, %parallel_loop3A_313] {strides = array<i32>} : memref<4x128x128xf32, #tpu.memory_space<vmem>>, vector<1x1x16xf32>,
        %parallel_loop3A_315 = vector.shape_cast %parallel_loop3A_314 : vector<1x1x16xf32> to vector<16xf32>
        %parallel_loop3A_316 = vector.shape_cast %parallel_loop3A_309 : vector<16xf32> to vector<1x1x16xf32>
        tpu.vector_store %arg6[%parallel_loop3A_311, %parallel_loop3A_312, %parallel_loop3A_313], %parallel_loop3A_316 {strides = array<i32>} : memref<4x128x128xf32, #tpu.memory_space<vmem>>, vector<1x1x16xf32>,
        %parallel_loop3A_317 = arith.constant 2 : i32
        %parallel_loop3A_318 = arith.index_cast %parallel_loop3A_317 : i32 to index
        %parallel_loop3A_319 = arith.index_cast %parallel_loop3A_268 : i32 to index
        %parallel_loop3A_320 = arith.constant 48 : index
        %parallel_loop3A_321 = tpu.vector_load %arg6[%parallel_loop3A_318, %parallel_loop3A_319, %parallel_loop3A_320] {strides = array<i32>} : memref<4x128x128xf32, #tpu.memory_space<vmem>>, vector<1x1x16xf32>,
        %parallel_loop3A_322 = vector.shape_cast %parallel_loop3A_321 : vector<1x1x16xf32> to vector<16xf32>
        %parallel_loop3A_323 = arith.constant 8.000000e+00 : f32
        %parallel_loop3A_324 = vector.broadcast %parallel_loop3A_323 : f32 to vector<16xf32>
        %parallel_loop3A_325 = arith.mulf %parallel_loop3A_322, %parallel_loop3A_324 : vector<16xf32>
        %parallel_loop3A_326 = arith.constant 2 : i32
        %parallel_loop3A_327 = arith.index_cast %parallel_loop3A_326 : i32 to index
        %parallel_loop3A_328 = arith.index_cast %parallel_loop3A_268 : i32 to index
        %parallel_loop3A_329 = arith.constant 48 : index
        %parallel_loop3A_330 = tpu.vector_load %arg6[%parallel_loop3A_327, %parallel_loop3A_328, %parallel_loop3A_329] {strides = array<i32>} : memref<4x128x128xf32, #tpu.memory_space<vmem>>, vector<1x1x16xf32>,
        %parallel_loop3A_331 = vector.shape_cast %parallel_loop3A_330 : vector<1x1x16xf32> to vector<16xf32>
        %parallel_loop3A_332 = vector.shape_cast %parallel_loop3A_325 : vector<16xf32> to vector<1x1x16xf32>
        tpu.vector_store %arg6[%parallel_loop3A_327, %parallel_loop3A_328, %parallel_loop3A_329], %parallel_loop3A_332 {strides = array<i32>} : memref<4x128x128xf32, #tpu.memory_space<vmem>>, vector<1x1x16xf32>,
      } {sc.loop_unroll_factor = 8 : i64, sc.parallel_access}
      %mul3A_202 = arith.constant 128 : i32
      %mul3A_203 = arith.muli %add3A_187, %mul3A_202 : i32
      %add3A_204 = arith.addi %mul3A_6, %mul3A_203 : i32
      %dma_start3A_205 = arith.constant 2 : i32
      %dma_start3A_206 = arith.constant 0 : i32
      %dma_start3A_207 = arith.constant 0 : i32
      %dma_start3A_208 = tpu.memref_slice %arg6[%dma_start3A_205, %dma_start3A_206, %dma_start3A_207] : memref<4x128x128xf32, #tpu.memory_space<vmem>> -> memref<1x128x128xf32, #tpu.memory_space<vmem>>
      %dma_start3A_209 = tpu.memref_squeeze %dma_start3A_208 : memref<1x128x128xf32, #tpu.memory_space<vmem>> -> memref<128x128xf32, #tpu.memory_space<vmem>>
      %dma_start3A_210 = arith.constant 0 : i32
      %dma_start3A_211 = tpu.memref_slice %arg4[%add3A_204, %dma_start3A_210] : memref<819200x128xf32, #tpu.memory_space<hbm>> -> memref<128x128xf32, #tpu.memory_space<hbm>>
      %dma_start3A_212 = arith.constant 0 : i32
      %dma_start3A_213 = tpu.memref_slice %arg4[%add3A_204, %dma_start3A_212] : memref<819200x128xf32, #tpu.memory_space<hbm>> -> memref<128x128xf32, #tpu.memory_space<hbm>>
      %dma_start3A_214 = arith.constant 0 : i32
      %dma_start3A_215 = arith.constant 0 : i32
      %dma_start3A_216 = tpu.memref_slice %arg6[%dma_start3A_205, %dma_start3A_214, %dma_start3A_215] : memref<4x128x128xf32, #tpu.memory_space<vmem>> -> memref<1x128x128xf32, #tpu.memory_space<vmem>>
      %dma_start3A_217 = tpu.memref_squeeze %dma_start3A_216 : memref<1x128x128xf32, #tpu.memory_space<vmem>> -> memref<128x128xf32, #tpu.memory_space<vmem>>
      tpu.enqueue_dma source(%dma_start3A_217 : memref<128x128xf32, #tpu.memory_space<vmem>>) target(%dma_start3A_213 : memref<128x128xf32, #tpu.memory_space<hbm>>) target_semaphore(%arg13 : memref<!tpu.dma_semaphore, #tpu.memory_space<semaphore_mem>>)
      %add3A_218 = arith.constant 4 : i32
      %add3A_219 = arith.addi %add3A_187, %add3A_218 : i32
      %sub3A_220 = arith.constant 1 : i32
      %sub3A_221 = arith.subi %add3A_219, %sub3A_220 : i32
      %lt3A_222 = arith.constant 200 : i32
      %lt3A_223 = arith.cmpi slt, %sub3A_221, %lt3A_222 : i32
      %convert_element_type3A_224 = arith.extui %lt3A_223 : i1 to i32
      %cond3A_225 = arith.constant 0 : i32
      %cond3A_226 = arith.cmpi ne, %convert_element_type3A_224, %cond3A_225 : i32
      scf.if %cond3A_226 {
        %ge3A = arith.constant 1 : i32
        %ge3A_268 = arith.cmpi sge, %add3A_187, %ge3A : i32
        %convert_element_type3A_269 = arith.extui %ge3A_268 : i1 to i32
        %cond3A_270 = arith.constant 0 : i32
        %cond3A_271 = arith.cmpi ne, %convert_element_type3A_269, %cond3A_270 : i32
        scf.if %cond3A_271 {
          %sub3A_287 = arith.constant 1 : i32
          %sub3A_288 = arith.subi %add3A_187, %sub3A_287 : i32
          %mul3A_289 = arith.constant 128 : i32
          %mul3A_290 = arith.muli %sub3A_288, %mul3A_289 : i32
          %add3A_291 = arith.addi %mul3A_6, %mul3A_290 : i32
          %dma_wait3A_292 = arith.constant 1 : i32
          %dma_wait3A_293 = arith.constant 0 : i32
          %dma_wait3A_294 = arith.constant 0 : i32
          %dma_wait3A_295 = tpu.memref_slice %arg6[%dma_wait3A_292, %dma_wait3A_293, %dma_wait3A_294] : memref<4x128x128xf32, #tpu.memory_space<vmem>> -> memref<1x128x128xf32, #tpu.memory_space<vmem>>
          %dma_wait3A_296 = tpu.memref_squeeze %dma_wait3A_295 : memref<1x128x128xf32, #tpu.memory_space<vmem>> -> memref<128x128xf32, #tpu.memory_space<vmem>>
          %dma_wait3A_297 = arith.constant 0 : i32
          %dma_wait3A_298 = tpu.memref_slice %arg4[%add3A_291, %dma_wait3A_297] : memref<819200x128xf32, #tpu.memory_space<hbm>> -> memref<128x128xf32, #tpu.memory_space<hbm>>
          %dma_wait3A_299 = arith.constant 0 : i32
          %dma_wait3A_300 = tpu.memref_slice %arg4[%add3A_291, %dma_wait3A_299] : memref<819200x128xf32, #tpu.memory_space<hbm>> -> memref<128x128xf32, #tpu.memory_space<hbm>>
          %dma_wait3A_301 = arith.constant 0 : i32
          %dma_wait3A_302 = arith.constant 0 : i32
          %dma_wait3A_303 = tpu.memref_slice %arg6[%dma_wait3A_292, %dma_wait3A_301, %dma_wait3A_302] : memref<4x128x128xf32, #tpu.memory_space<vmem>> -> memref<1x128x128xf32, #tpu.memory_space<vmem>>
          %dma_wait3A_304 = tpu.memref_squeeze %dma_wait3A_303 : memref<1x128x128xf32, #tpu.memory_space<vmem>> -> memref<128x128xf32, #tpu.memory_space<vmem>>
          tpu.wait_dma2 semaphore(%arg12 : memref<!tpu.dma_semaphore, #tpu.memory_space<semaphore_mem>>) src(%dma_wait3A_304 : memref<128x128xf32, #tpu.memory_space<vmem>>) dst(%dma_wait3A_300 : memref<128x128xf32, #tpu.memory_space<hbm>>)
        } else {
        }
        %add3A_272 = arith.constant 4 : i32
        %add3A_273 = arith.addi %add3A_187, %add3A_272 : i32
        %sub3A_274 = arith.constant 1 : i32
        %sub3A_275 = arith.subi %add3A_273, %sub3A_274 : i32
        %dma_start3A_276 = arith.constant 1 : i32
        %dma_start3A_277 = arith.constant 0 : i32
        %dma_start3A_278 = arith.constant 0 : i32
        %dma_start3A_279 = tpu.memref_slice %arg6[%dma_start3A_276, %dma_start3A_277, %dma_start3A_278] : memref<4x128x128xf32, #tpu.memory_space<vmem>> -> memref<1x128x128xf32, #tpu.memory_space<vmem>>
        %dma_start3A_280 = tpu.memref_squeeze %dma_start3A_279 : memref<1x128x128xf32, #tpu.memory_space<vmem>> -> memref<128x128xf32, #tpu.memory_space<vmem>>
        %dma_start3A_281 = arith.constant 0 : i32
        %dma_start3A_282 = tpu.memref_slice %arg5[%sub3A_275, %dma_start3A_281] : memref<200x128xi32, #tpu.memory_space<vmem>> -> memref<1x128xi32, #tpu.memory_space<vmem>>
        %dma_start3A_283 = tpu.memref_squeeze %dma_start3A_282 : memref<1x128xi32, #tpu.memory_space<vmem>> -> memref<128xi32, #tpu.memory_space<vmem>>
        %dma_start3A_284 = arith.constant 0 : i32
        %dma_start3A_285 = arith.constant 0 : i32
        %dma_start3A_286 = tpu.memref_slice %arg3[%dma_start3A_284, %dma_start3A_285] : memref<1000000x128xf32, #tpu.memory_space<hbm>> -> memref<1000000x128xf32, #tpu.memory_space<hbm>>
        tpu.enqueue_indirect_dma source(%dma_start3A_286 : memref<1000000x128xf32, #tpu.memory_space<hbm>>) target(%dma_start3A_280 : memref<128x128xf32, #tpu.memory_space<vmem>>) offsets(%dma_start3A_283 : memref<128xi32, #tpu.memory_space<vmem>>) semaphore(%arg8 : memref<!tpu.dma_semaphore, #tpu.memory_space<semaphore_mem>>)
      } else {
      }
      %add3A_227 = arith.constant 3 : i32
      %add3A_228 = arith.addi %mul3A_108, %add3A_227 : i32
      %dma_wait3A_229 = arith.constant 3 : i32
      %dma_wait3A_230 = arith.constant 0 : i32
      %dma_wait3A_231 = arith.constant 0 : i32
      %dma_wait3A_232 = tpu.memref_slice %arg6[%dma_wait3A_229, %dma_wait3A_230, %dma_wait3A_231] : memref<4x128x128xf32, #tpu.memory_space<vmem>> -> memref<1x128x128xf32, #tpu.memory_space<vmem>>
      %dma_wait3A_233 = tpu.memref_squeeze %dma_wait3A_232 : memref<1x128x128xf32, #tpu.memory_space<vmem>> -> memref<128x128xf32, #tpu.memory_space<vmem>>
      %dma_wait3A_234 = arith.constant 0 : i32
      %dma_wait3A_235 = tpu.memref_slice %arg5[%add3A_228, %dma_wait3A_234] : memref<200x128xi32, #tpu.memory_space<vmem>> -> memref<1x128xi32, #tpu.memory_space<vmem>>
      %dma_wait3A_236 = tpu.memref_squeeze %dma_wait3A_235 : memref<1x128xi32, #tpu.memory_space<vmem>> -> memref<128xi32, #tpu.memory_space<vmem>>
      %dma_wait3A_237 = arith.constant 0 : i32
      %dma_wait3A_238 = arith.constant 0 : i32
      %dma_wait3A_239 = tpu.memref_slice %arg3[%dma_wait3A_237, %dma_wait3A_238] : memref<1000000x128xf32, #tpu.memory_space<hbm>> -> memref<1000000x128xf32, #tpu.memory_space<hbm>>
      tpu.wait_indirect_dma semaphore(%arg10 : memref<!tpu.dma_semaphore, #tpu.memory_space<semaphore_mem>>) src(%dma_wait3A_239 : memref<1000000x128xf32, #tpu.memory_space<hbm>>) dst(%dma_wait3A_233 : memref<128x128xf32, #tpu.memory_space<vmem>>)
      %parallel_loop3A_240 = arith.constant 0 : i32
      %parallel_loop3A_241 = arith.constant 128 : i32
      %parallel_loop3A_242 = arith.constant 1 : i32
      scf.for %parallel_loop3A_268 = %parallel_loop3A_240 to %parallel_loop3A_241 step %parallel_loop3A_242  : i32 {
        %parallel_loop3A_269 = arith.constant 3 : i32
        %parallel_loop3A_270 = arith.index_cast %parallel_loop3A_269 : i32 to index
        %parallel_loop3A_271 = arith.index_cast %parallel_loop3A_268 : i32 to index
        %parallel_loop3A_272 = arith.constant 0 : index
        %parallel_loop3A_273 = tpu.vector_load %arg6[%parallel_loop3A_270, %parallel_loop3A_271, %parallel_loop3A_272] {strides = array<i32>} : memref<4x128x128xf32, #tpu.memory_space<vmem>>, vector<1x1x16xf32>,
        %parallel_loop3A_274 = vector.shape_cast %parallel_loop3A_273 : vector<1x1x16xf32> to vector<16xf32>
        %parallel_loop3A_275 = arith.constant 8.000000e+00 : f32
        %parallel_loop3A_276 = vector.broadcast %parallel_loop3A_275 : f32 to vector<16xf32>
        %parallel_loop3A_277 = arith.mulf %parallel_loop3A_274, %parallel_loop3A_276 : vector<16xf32>
        %parallel_loop3A_278 = arith.constant 3 : i32
        %parallel_loop3A_279 = arith.index_cast %parallel_loop3A_278 : i32 to index
        %parallel_loop3A_280 = arith.index_cast %parallel_loop3A_268 : i32 to index
        %parallel_loop3A_281 = arith.constant 0 : index
        %parallel_loop3A_282 = tpu.vector_load %arg6[%parallel_loop3A_279, %parallel_loop3A_280, %parallel_loop3A_281] {strides = array<i32>} : memref<4x128x128xf32, #tpu.memory_space<vmem>>, vector<1x1x16xf32>,
        %parallel_loop3A_283 = vector.shape_cast %parallel_loop3A_282 : vector<1x1x16xf32> to vector<16xf32>
        %parallel_loop3A_284 = vector.shape_cast %parallel_loop3A_277 : vector<16xf32> to vector<1x1x16xf32>
        tpu.vector_store %arg6[%parallel_loop3A_279, %parallel_loop3A_280, %parallel_loop3A_281], %parallel_loop3A_284 {strides = array<i32>} : memref<4x128x128xf32, #tpu.memory_space<vmem>>, vector<1x1x16xf32>,
        %parallel_loop3A_285 = arith.constant 3 : i32
        %parallel_loop3A_286 = arith.index_cast %parallel_loop3A_285 : i32 to index
        %parallel_loop3A_287 = arith.index_cast %parallel_loop3A_268 : i32 to index
        %parallel_loop3A_288 = arith.constant 16 : index
        %parallel_loop3A_289 = tpu.vector_load %arg6[%parallel_loop3A_286, %parallel_loop3A_287, %parallel_loop3A_288] {strides = array<i32>} : memref<4x128x128xf32, #tpu.memory_space<vmem>>, vector<1x1x16xf32>,
        %parallel_loop3A_290 = vector.shape_cast %parallel_loop3A_289 : vector<1x1x16xf32> to vector<16xf32>
        %parallel_loop3A_291 = arith.constant 8.000000e+00 : f32
        %parallel_loop3A_292 = vector.broadcast %parallel_loop3A_291 : f32 to vector<16xf32>
        %parallel_loop3A_293 = arith.mulf %parallel_loop3A_290, %parallel_loop3A_292 : vector<16xf32>
        %parallel_loop3A_294 = arith.constant 3 : i32
        %parallel_loop3A_295 = arith.index_cast %parallel_loop3A_294 : i32 to index
        %parallel_loop3A_296 = arith.index_cast %parallel_loop3A_268 : i32 to index
        %parallel_loop3A_297 = arith.constant 16 : index
        %parallel_loop3A_298 = tpu.vector_load %arg6[%parallel_loop3A_295, %parallel_loop3A_296, %parallel_loop3A_297] {strides = array<i32>} : memref<4x128x128xf32, #tpu.memory_space<vmem>>, vector<1x1x16xf32>,
        %parallel_loop3A_299 = vector.shape_cast %parallel_loop3A_298 : vector<1x1x16xf32> to vector<16xf32>
        %parallel_loop3A_300 = vector.shape_cast %parallel_loop3A_293 : vector<16xf32> to vector<1x1x16xf32>
        tpu.vector_store %arg6[%parallel_loop3A_295, %parallel_loop3A_296, %parallel_loop3A_297], %parallel_loop3A_300 {strides = array<i32>} : memref<4x128x128xf32, #tpu.memory_space<vmem>>, vector<1x1x16xf32>,
        %parallel_loop3A_301 = arith.constant 3 : i32
        %parallel_loop3A_302 = arith.index_cast %parallel_loop3A_301 : i32 to index
        %parallel_loop3A_303 = arith.index_cast %parallel_loop3A_268 : i32 to index
        %parallel_loop3A_304 = arith.constant 32 : index
        %parallel_loop3A_305 = tpu.vector_load %arg6[%parallel_loop3A_302, %parallel_loop3A_303, %parallel_loop3A_304] {strides = array<i32>} : memref<4x128x128xf32, #tpu.memory_space<vmem>>, vector<1x1x16xf32>,
        %parallel_loop3A_306 = vector.shape_cast %parallel_loop3A_305 : vector<1x1x16xf32> to vector<16xf32>
        %parallel_loop3A_307 = arith.constant 8.000000e+00 : f32
        %parallel_loop3A_308 = vector.broadcast %parallel_loop3A_307 : f32 to vector<16xf32>
        %parallel_loop3A_309 = arith.mulf %parallel_loop3A_306, %parallel_loop3A_308 : vector<16xf32>
        %parallel_loop3A_310 = arith.constant 3 : i32
        %parallel_loop3A_311 = arith.index_cast %parallel_loop3A_310 : i32 to index
        %parallel_loop3A_312 = arith.index_cast %parallel_loop3A_268 : i32 to index
        %parallel_loop3A_313 = arith.constant 32 : index
        %parallel_loop3A_314 = tpu.vector_load %arg6[%parallel_loop3A_311, %parallel_loop3A_312, %parallel_loop3A_313] {strides = array<i32>} : memref<4x128x128xf32, #tpu.memory_space<vmem>>, vector<1x1x16xf32>,
        %parallel_loop3A_315 = vector.shape_cast %parallel_loop3A_314 : vector<1x1x16xf32> to vector<16xf32>
        %parallel_loop3A_316 = vector.shape_cast %parallel_loop3A_309 : vector<16xf32> to vector<1x1x16xf32>
        tpu.vector_store %arg6[%parallel_loop3A_311, %parallel_loop3A_312, %parallel_loop3A_313], %parallel_loop3A_316 {strides = array<i32>} : memref<4x128x128xf32, #tpu.memory_space<vmem>>, vector<1x1x16xf32>,
        %parallel_loop3A_317 = arith.constant 3 : i32
        %parallel_loop3A_318 = arith.index_cast %parallel_loop3A_317 : i32 to index
        %parallel_loop3A_319 = arith.index_cast %parallel_loop3A_268 : i32 to index
        %parallel_loop3A_320 = arith.constant 48 : index
        %parallel_loop3A_321 = tpu.vector_load %arg6[%parallel_loop3A_318, %parallel_loop3A_319, %parallel_loop3A_320] {strides = array<i32>} : memref<4x128x128xf32, #tpu.memory_space<vmem>>, vector<1x1x16xf32>,
        %parallel_loop3A_322 = vector.shape_cast %parallel_loop3A_321 : vector<1x1x16xf32> to vector<16xf32>
        %parallel_loop3A_323 = arith.constant 8.000000e+00 : f32
        %parallel_loop3A_324 = vector.broadcast %parallel_loop3A_323 : f32 to vector<16xf32>
        %parallel_loop3A_325 = arith.mulf %parallel_loop3A_322, %parallel_loop3A_324 : vector<16xf32>
        %parallel_loop3A_326 = arith.constant 3 : i32
        %parallel_loop3A_327 = arith.index_cast %parallel_loop3A_326 : i32 to index
        %parallel_loop3A_328 = arith.index_cast %parallel_loop3A_268 : i32 to index
        %parallel_loop3A_329 = arith.constant 48 : index
        %parallel_loop3A_330 = tpu.vector_load %arg6[%parallel_loop3A_327, %parallel_loop3A_328, %parallel_loop3A_329] {strides = array<i32>} : memref<4x128x128xf32, #tpu.memory_space<vmem>>, vector<1x1x16xf32>,
        %parallel_loop3A_331 = vector.shape_cast %parallel_loop3A_330 : vector<1x1x16xf32> to vector<16xf32>
        %parallel_loop3A_332 = vector.shape_cast %parallel_loop3A_325 : vector<16xf32> to vector<1x1x16xf32>
        tpu.vector_store %arg6[%parallel_loop3A_327, %parallel_loop3A_328, %parallel_loop3A_329], %parallel_loop3A_332 {strides = array<i32>} : memref<4x128x128xf32, #tpu.memory_space<vmem>>, vector<1x1x16xf32>,
      } {sc.loop_unroll_factor = 8 : i64, sc.parallel_access}
      %mul3A_243 = arith.constant 128 : i32
      %mul3A_244 = arith.muli %add3A_228, %mul3A_243 : i32
      %add3A_245 = arith.addi %mul3A_6, %mul3A_244 : i32
      %dma_start3A_246 = arith.constant 3 : i32
      %dma_start3A_247 = arith.constant 0 : i32
      %dma_start3A_248 = arith.constant 0 : i32
      %dma_start3A_249 = tpu.memref_slice %arg6[%dma_start3A_246, %dma_start3A_247, %dma_start3A_248] : memref<4x128x128xf32, #tpu.memory_space<vmem>> -> memref<1x128x128xf32, #tpu.memory_space<vmem>>
      %dma_start3A_250 = tpu.memref_squeeze %dma_start3A_249 : memref<1x128x128xf32, #tpu.memory_space<vmem>> -> memref<128x128xf32, #tpu.memory_space<vmem>>
      %dma_start3A_251 = arith.constant 0 : i32
      %dma_start3A_252 = tpu.memref_slice %arg4[%add3A_245, %dma_start3A_251] : memref<819200x128xf32, #tpu.memory_space<hbm>> -> memref<128x128xf32, #tpu.memory_space<hbm>>
      %dma_start3A_253 = arith.constant 0 : i32
      %dma_start3A_254 = tpu.memref_slice %arg4[%add3A_245, %dma_start3A_253] : memref<819200x128xf32, #tpu.memory_space<hbm>> -> memref<128x128xf32, #tpu.memory_space<hbm>>
      %dma_start3A_255 = arith.constant 0 : i32
      %dma_start3A_256 = arith.constant 0 : i32
      %dma_start3A_257 = tpu.memref_slice %arg6[%dma_start3A_246, %dma_start3A_255, %dma_start3A_256] : memref<4x128x128xf32, #tpu.memory_space<vmem>> -> memref<1x128x128xf32, #tpu.memory_space<vmem>>
      %dma_start3A_258 = tpu.memref_squeeze %dma_start3A_257 : memref<1x128x128xf32, #tpu.memory_space<vmem>> -> memref<128x128xf32, #tpu.memory_space<vmem>>
      tpu.enqueue_dma source(%dma_start3A_258 : memref<128x128xf32, #tpu.memory_space<vmem>>) target(%dma_start3A_254 : memref<128x128xf32, #tpu.memory_space<hbm>>) target_semaphore(%arg14 : memref<!tpu.dma_semaphore, #tpu.memory_space<semaphore_mem>>)
      %add3A_259 = arith.constant 4 : i32
      %add3A_260 = arith.addi %add3A_228, %add3A_259 : i32
      %sub3A_261 = arith.constant 1 : i32
      %sub3A_262 = arith.subi %add3A_260, %sub3A_261 : i32
      %lt3A_263 = arith.constant 200 : i32
      %lt3A_264 = arith.cmpi slt, %sub3A_262, %lt3A_263 : i32
      %convert_element_type3A_265 = arith.extui %lt3A_264 : i1 to i32
      %cond3A_266 = arith.constant 0 : i32
      %cond3A_267 = arith.cmpi ne, %convert_element_type3A_265, %cond3A_266 : i32
      scf.if %cond3A_267 {
        %ge3A = arith.constant 1 : i32
        %ge3A_268 = arith.cmpi sge, %add3A_228, %ge3A : i32
        %convert_element_type3A_269 = arith.extui %ge3A_268 : i1 to i32
        %cond3A_270 = arith.constant 0 : i32
        %cond3A_271 = arith.cmpi ne, %convert_element_type3A_269, %cond3A_270 : i32
        scf.if %cond3A_271 {
          %sub3A_287 = arith.constant 1 : i32
          %sub3A_288 = arith.subi %add3A_228, %sub3A_287 : i32
          %mul3A_289 = arith.constant 128 : i32
          %mul3A_290 = arith.muli %sub3A_288, %mul3A_289 : i32
          %add3A_291 = arith.addi %mul3A_6, %mul3A_290 : i32
          %dma_wait3A_292 = arith.constant 2 : i32
          %dma_wait3A_293 = arith.constant 0 : i32
          %dma_wait3A_294 = arith.constant 0 : i32
          %dma_wait3A_295 = tpu.memref_slice %arg6[%dma_wait3A_292, %dma_wait3A_293, %dma_wait3A_294] : memref<4x128x128xf32, #tpu.memory_space<vmem>> -> memref<1x128x128xf32, #tpu.memory_space<vmem>>
          %dma_wait3A_296 = tpu.memref_squeeze %dma_wait3A_295 : memref<1x128x128xf32, #tpu.memory_space<vmem>> -> memref<128x128xf32, #tpu.memory_space<vmem>>
          %dma_wait3A_297 = arith.constant 0 : i32
          %dma_wait3A_298 = tpu.memref_slice %arg4[%add3A_291, %dma_wait3A_297] : memref<819200x128xf32, #tpu.memory_space<hbm>> -> memref<128x128xf32, #tpu.memory_space<hbm>>
          %dma_wait3A_299 = arith.constant 0 : i32
          %dma_wait3A_300 = tpu.memref_slice %arg4[%add3A_291, %dma_wait3A_299] : memref<819200x128xf32, #tpu.memory_space<hbm>> -> memref<128x128xf32, #tpu.memory_space<hbm>>
          %dma_wait3A_301 = arith.constant 0 : i32
          %dma_wait3A_302 = arith.constant 0 : i32
          %dma_wait3A_303 = tpu.memref_slice %arg6[%dma_wait3A_292, %dma_wait3A_301, %dma_wait3A_302] : memref<4x128x128xf32, #tpu.memory_space<vmem>> -> memref<1x128x128xf32, #tpu.memory_space<vmem>>
          %dma_wait3A_304 = tpu.memref_squeeze %dma_wait3A_303 : memref<1x128x128xf32, #tpu.memory_space<vmem>> -> memref<128x128xf32, #tpu.memory_space<vmem>>
          tpu.wait_dma2 semaphore(%arg13 : memref<!tpu.dma_semaphore, #tpu.memory_space<semaphore_mem>>) src(%dma_wait3A_304 : memref<128x128xf32, #tpu.memory_space<vmem>>) dst(%dma_wait3A_300 : memref<128x128xf32, #tpu.memory_space<hbm>>)
        } else {
        }
        %add3A_272 = arith.constant 4 : i32
        %add3A_273 = arith.addi %add3A_228, %add3A_272 : i32
        %sub3A_274 = arith.constant 1 : i32
        %sub3A_275 = arith.subi %add3A_273, %sub3A_274 : i32
        %dma_start3A_276 = arith.constant 2 : i32
        %dma_start3A_277 = arith.constant 0 : i32
        %dma_start3A_278 = arith.constant 0 : i32
        %dma_start3A_279 = tpu.memref_slice %arg6[%dma_start3A_276, %dma_start3A_277, %dma_start3A_278] : memref<4x128x128xf32, #tpu.memory_space<vmem>> -> memref<1x128x128xf32, #tpu.memory_space<vmem>>
        %dma_start3A_280 = tpu.memref_squeeze %dma_start3A_279 : memref<1x128x128xf32, #tpu.memory_space<vmem>> -> memref<128x128xf32, #tpu.memory_space<vmem>>
        %dma_start3A_281 = arith.constant 0 : i32
        %dma_start3A_282 = tpu.memref_slice %arg5[%sub3A_275, %dma_start3A_281] : memref<200x128xi32, #tpu.memory_space<vmem>> -> memref<1x128xi32, #tpu.memory_space<vmem>>
        %dma_start3A_283 = tpu.memref_squeeze %dma_start3A_282 : memref<1x128xi32, #tpu.memory_space<vmem>> -> memref<128xi32, #tpu.memory_space<vmem>>
        %dma_start3A_284 = arith.constant 0 : i32
        %dma_start3A_285 = arith.constant 0 : i32
        %dma_start3A_286 = tpu.memref_slice %arg3[%dma_start3A_284, %dma_start3A_285] : memref<1000000x128xf32, #tpu.memory_space<hbm>> -> memref<1000000x128xf32, #tpu.memory_space<hbm>>
        tpu.enqueue_indirect_dma source(%dma_start3A_286 : memref<1000000x128xf32, #tpu.memory_space<hbm>>) target(%dma_start3A_280 : memref<128x128xf32, #tpu.memory_space<vmem>>) offsets(%dma_start3A_283 : memref<128xi32, #tpu.memory_space<vmem>>) semaphore(%arg9 : memref<!tpu.dma_semaphore, #tpu.memory_space<semaphore_mem>>)
      } else {
      }
    }
    %scan3A_46 = arith.constant 50 : i32
    %add3A_47 = arith.constant 25088 : i32
    %add3A_48 = arith.addi %mul3A_6, %add3A_47 : i32
    %dma_wait3A = arith.constant 0 : i32
    %dma_wait3A_49 = arith.constant 0 : i32
    %dma_wait3A_50 = arith.constant 0 : i32
    %dma_wait3A_51 = tpu.memref_slice %arg6[%dma_wait3A, %dma_wait3A_49, %dma_wait3A_50] : memref<4x128x128xf32, #tpu.memory_space<vmem>> -> memref<1x128x128xf32, #tpu.memory_space<vmem>>
    %dma_wait3A_52 = tpu.memref_squeeze %dma_wait3A_51 : memref<1x128x128xf32, #tpu.memory_space<vmem>> -> memref<128x128xf32, #tpu.memory_space<vmem>>
    %dma_wait3A_53 = arith.constant 0 : i32
    %dma_wait3A_54 = tpu.memref_slice %arg4[%add3A_48, %dma_wait3A_53] : memref<819200x128xf32, #tpu.memory_space<hbm>> -> memref<128x128xf32, #tpu.memory_space<hbm>>
    %dma_wait3A_55 = arith.constant 0 : i32
    %dma_wait3A_56 = tpu.memref_slice %arg4[%add3A_48, %dma_wait3A_55] : memref<819200x128xf32, #tpu.memory_space<hbm>> -> memref<128x128xf32, #tpu.memory_space<hbm>>
    %dma_wait3A_57 = arith.constant 0 : i32
    %dma_wait3A_58 = arith.constant 0 : i32
    %dma_wait3A_59 = tpu.memref_slice %arg6[%dma_wait3A, %dma_wait3A_57, %dma_wait3A_58] : memref<4x128x128xf32, #tpu.memory_space<vmem>> -> memref<1x128x128xf32, #tpu.memory_space<vmem>>
    %dma_wait3A_60 = tpu.memref_squeeze %dma_wait3A_59 : memref<1x128x128xf32, #tpu.memory_space<vmem>> -> memref<128x128xf32, #tpu.memory_space<vmem>>
    tpu.wait_dma2 semaphore(%arg11 : memref<!tpu.dma_semaphore, #tpu.memory_space<semaphore_mem>>) src(%dma_wait3A_60 : memref<128x128xf32, #tpu.memory_space<vmem>>) dst(%dma_wait3A_56 : memref<128x128xf32, #tpu.memory_space<hbm>>)
    %add3A_61 = arith.constant 25216 : i32
    %add3A_62 = arith.addi %mul3A_6, %add3A_61 : i32
    %dma_wait3A_63 = arith.constant 1 : i32
    %dma_wait3A_64 = arith.constant 0 : i32
    %dma_wait3A_65 = arith.constant 0 : i32
    %dma_wait3A_66 = tpu.memref_slice %arg6[%dma_wait3A_63, %dma_wait3A_64, %dma_wait3A_65] : memref<4x128x128xf32, #tpu.memory_space<vmem>> -> memref<1x128x128xf32, #tpu.memory_space<vmem>>
    %dma_wait3A_67 = tpu.memref_squeeze %dma_wait3A_66 : memref<1x128x128xf32, #tpu.memory_space<vmem>> -> memref<128x128xf32, #tpu.memory_space<vmem>>
    %dma_wait3A_68 = arith.constant 0 : i32
    %dma_wait3A_69 = tpu.memref_slice %arg4[%add3A_62, %dma_wait3A_68] : memref<819200x128xf32, #tpu.memory_space<hbm>> -> memref<128x128xf32, #tpu.memory_space<hbm>>
    %dma_wait3A_70 = arith.constant 0 : i32
    %dma_wait3A_71 = tpu.memref_slice %arg4[%add3A_62, %dma_wait3A_70] : memref<819200x128xf32, #tpu.memory_space<hbm>> -> memref<128x128xf32, #tpu.memory_space<hbm>>
    %dma_wait3A_72 = arith.constant 0 : i32
    %dma_wait3A_73 = arith.constant 0 : i32
    %dma_wait3A_74 = tpu.memref_slice %arg6[%dma_wait3A_63, %dma_wait3A_72, %dma_wait3A_73] : memref<4x128x128xf32, #tpu.memory_space<vmem>> -> memref<1x128x128xf32, #tpu.memory_space<vmem>>
    %dma_wait3A_75 = tpu.memref_squeeze %dma_wait3A_74 : memref<1x128x128xf32, #tpu.memory_space<vmem>> -> memref<128x128xf32, #tpu.memory_space<vmem>>
    tpu.wait_dma2 semaphore(%arg12 : memref<!tpu.dma_semaphore, #tpu.memory_space<semaphore_mem>>) src(%dma_wait3A_75 : memref<128x128xf32, #tpu.memory_space<vmem>>) dst(%dma_wait3A_71 : memref<128x128xf32, #tpu.memory_space<hbm>>)
    %add3A_76 = arith.constant 25344 : i32
    %add3A_77 = arith.addi %mul3A_6, %add3A_76 : i32
    %dma_wait3A_78 = arith.constant 2 : i32
    %dma_wait3A_79 = arith.constant 0 : i32
    %dma_wait3A_80 = arith.constant 0 : i32
    %dma_wait3A_81 = tpu.memref_slice %arg6[%dma_wait3A_78, %dma_wait3A_79, %dma_wait3A_80] : memref<4x128x128xf32, #tpu.memory_space<vmem>> -> memref<1x128x128xf32, #tpu.memory_space<vmem>>
    %dma_wait3A_82 = tpu.memref_squeeze %dma_wait3A_81 : memref<1x128x128xf32, #tpu.memory_space<vmem>> -> memref<128x128xf32, #tpu.memory_space<vmem>>
    %dma_wait3A_83 = arith.constant 0 : i32
    %dma_wait3A_84 = tpu.memref_slice %arg4[%add3A_77, %dma_wait3A_83] : memref<819200x128xf32, #tpu.memory_space<hbm>> -> memref<128x128xf32, #tpu.memory_space<hbm>>
    %dma_wait3A_85 = arith.constant 0 : i32
    %dma_wait3A_86 = tpu.memref_slice %arg4[%add3A_77, %dma_wait3A_85] : memref<819200x128xf32, #tpu.memory_space<hbm>> -> memref<128x128xf32, #tpu.memory_space<hbm>>
    %dma_wait3A_87 = arith.constant 0 : i32
    %dma_wait3A_88 = arith.constant 0 : i32
    %dma_wait3A_89 = tpu.memref_slice %arg6[%dma_wait3A_78, %dma_wait3A_87, %dma_wait3A_88] : memref<4x128x128xf32, #tpu.memory_space<vmem>> -> memref<1x128x128xf32, #tpu.memory_space<vmem>>
    %dma_wait3A_90 = tpu.memref_squeeze %dma_wait3A_89 : memref<1x128x128xf32, #tpu.memory_space<vmem>> -> memref<128x128xf32, #tpu.memory_space<vmem>>
    tpu.wait_dma2 semaphore(%arg13 : memref<!tpu.dma_semaphore, #tpu.memory_space<semaphore_mem>>) src(%dma_wait3A_90 : memref<128x128xf32, #tpu.memory_space<vmem>>) dst(%dma_wait3A_86 : memref<128x128xf32, #tpu.memory_space<hbm>>)
    %add3A_91 = arith.constant 25472 : i32
    %add3A_92 = arith.addi %mul3A_6, %add3A_91 : i32
    %dma_wait3A_93 = arith.constant 3 : i32
    %dma_wait3A_94 = arith.constant 0 : i32
    %dma_wait3A_95 = arith.constant 0 : i32
    %dma_wait3A_96 = tpu.memref_slice %arg6[%dma_wait3A_93, %dma_wait3A_94, %dma_wait3A_95] : memref<4x128x128xf32, #tpu.memory_space<vmem>> -> memref<1x128x128xf32, #tpu.memory_space<vmem>>
    %dma_wait3A_97 = tpu.memref_squeeze %dma_wait3A_96 : memref<1x128x128xf32, #tpu.memory_space<vmem>> -> memref<128x128xf32, #tpu.memory_space<vmem>>
    %dma_wait3A_98 = arith.constant 0 : i32
    %dma_wait3A_99 = tpu.memref_slice %arg4[%add3A_92, %dma_wait3A_98] : memref<819200x128xf32, #tpu.memory_space<hbm>> -> memref<128x128xf32, #tpu.memory_space<hbm>>
    %dma_wait3A_100 = arith.constant 0 : i32
    %dma_wait3A_101 = tpu.memref_slice %arg4[%add3A_92, %dma_wait3A_100] : memref<819200x128xf32, #tpu.memory_space<hbm>> -> memref<128x128xf32, #tpu.memory_space<hbm>>
    %dma_wait3A_102 = arith.constant 0 : i32
    %dma_wait3A_103 = arith.constant 0 : i32
    %dma_wait3A_104 = tpu.memref_slice %arg6[%dma_wait3A_93, %dma_wait3A_102, %dma_wait3A_103] : memref<4x128x128xf32, #tpu.memory_space<vmem>> -> memref<1x128x128xf32, #tpu.memory_space<vmem>>
    %dma_wait3A_105 = tpu.memref_squeeze %dma_wait3A_104 : memref<1x128x128xf32, #tpu.memory_space<vmem>> -> memref<128x128xf32, #tpu.memory_space<vmem>>
    tpu.wait_dma2 semaphore(%arg14 : memref<!tpu.dma_semaphore, #tpu.memory_space<semaphore_mem>>) src(%dma_wait3A_105 : memref<128x128xf32, #tpu.memory_space<vmem>>) dst(%dma_wait3A_101 : memref<128x128xf32, #tpu.memory_space<hbm>>)
    return
  }
}

</mosaic_0001>

<sc_bundles>
// kernel: _embed.3.cloned.1.call-start
scs
__scs_entry_jumppad:
0x0: {  	(pc) =	sbr.rel $0x88, $3  }
0x1: {  	(tag) =	ssettag $0x0;
	lr =	simm.s32 $0x1  }
0x2: {  	[smem:$0x3F9F] =	sst lr;
	_ =	strace $0xD0000000  }
0x3: {  	_ = 	snop  }
0x4: {  	_ = 	snop  }
0x5: {  	_ = 	snop  }
0x6: {  	_ = 	snop  }
0x7: {  	_ = 	snop  }
__scs_overlays_trampoline_lowered:
0x8: {  	[smem:$0x3FAE] =	sst s0  }
0x9: {  	[smem:$0x3FAF] =	sst s1  }
0xa: {  	[smem:$0x3FB0] =	sst s2  }
0xb: {  	[smem:$0x3FB1] =	sst s3  }
0xc: {  	[smem:$0x3FB2] =	sst s4  }
0xd: {  	[smem:$0x3FB3] =	sst s5  }
0xe: {  	[smem:$0x3FB4] =	sst s6  }
0xf: {  	[smem:$0x3FB5] =	sst s7  }
0x10: {  	[smem:$0x3FB6] =	sst s8  }
0x11: {  	[smem:$0x3FB7] =	sst s9;
	s0 =	simm.s32 @!p0 $0x0  }
0x12: {  	s1 =	sld [smem:$0x3F9D];
	s0 =	simm.s32 @p0 $0x1  }
0x13: {  	[smem:$0x3FB8] =	sst s0;
	s0 =	simm.s32 @!p1 $0x0  }
0x14: {  	s2 =	sld [smem:$0x3F9C];
	s0 =	simm.s32 @p1 $0x1  }
0x15: {  	[smem:$0x3FB9] =	sst s0;
	s0 =	simm.s32 @!p2 $0x0  }
0x16: {  	s3 =	sld [smem:$0x3FDB];
	s0 =	simm.s32 @p2 $0x1  }
0x17: {  	s4 =	simm.s32 $0x1BF5;
	[smem:$0x3FBB] =	sst s0  }
0x18: {  	s0 =	sld [smem:$0x3F9E];
	_ =	swait.ge [sflag:s4], $0x0  }
0x19: {  	s7 =	sld [smem:$0x3F9F]  }
0x1a: {  	s8 =	sadd.s32 $0xFFFFE003, lr  }
0x1b: {  	s9 =	sadd.s32 $0xFFFFFEF7, lr;
	s5 =	simm.s32 $0xFFFFFFFF;
	p2 =	slt.u32 s8, $0xFFFFF086  }
0x1c: {  	p1 =	slt.u32 s9, $0xF7A;
	s5 =	simm.s32 @!p2 $0x0  }
0x1d: {  	s5 =	simm.s32 @p1 $0x1;
	p0 =	seq.s32 s7, s2  }
0x1e: {  	s7 =	smul.u32 @!p0 $0xF7A, s2;
	p2 =	seq.s32 @!p0 s5, $0x0  }
0x1f: {  	s9 =	smul.u32 $0xF7A, s1;
	s8 =	simm.s32 @!p0 $0x1BF5;
	p2 =	por !p2, p0  }
0x20: {  	[sflag:s8] =	ssyncset.s32 @!p0 $0xFFFFF086;
	s6 =	sadd.s32 @!p0 s3, s7;
	s7 =	simm.s32 @!p0 $0x108  }
0x21: {  	s3 =	sadd.s32 s3, s9;
	s6 =	sadd.s32 @!p0 $0x88, s6;
	s7 =	simm.s32 @p2 $0x1082  }
0x22: {  	[simem:s7], [sflag:s8] =	dma.local @!p0 [hbm:s6], $0xF7A  }
0x23: {  	s9 =	sor.u32 $0xD0000000, s2;
	s6 =	simm.s32 $0x108;
	_ =	swait.ge @!p0 [sflag:s8], $0x0  }
0x24: {  	s3 =	sadd.s32 $0x88, s3;
	s6 =	simm.s32 @!p1 $0x1082;
	[sflag:s4] =	ssyncset.s32 $0xFFFFF086  }
0x25: {  	[simem:s6], [sflag:s4] =	dma.local [hbm:s3], $0xF7A  }
0x26: {  	[smem:$0x3F9F] =	sst s1;
	(tag) =	ssettag s2;
	_ =	strace s9  }
0x27: {  	s1 =	sld [smem:$0x3FAF]  }
0x28: {  	s2 =	sld [smem:$0x3FB0]  }
0x29: {  	s4 =	sld [smem:$0x3FB2]  }
0x2a: {  	p0 =	seq.s32 s5, $0x0;
	s5 =	sld [smem:$0x3FB3]  }
0x2b: {  	s6 =	sld [smem:$0x3FB4]  }
0x2c: {  	s7 =	sld [smem:$0x3FB5]  }
0x2d: {  	s3 =	simm.s32 $0x108;
	s8 =	sld [smem:$0x3FB6]  }
0x2e: {  	s3 =	simm.s32 @!p0 $0x1082;
	s9 =	sld [smem:$0x3FB7]  }
0x2f: {  	lr =	sadd.s32 s0, s3;
	s0 =	sld [smem:$0x3FAE]  }
0x30: {  	s3 =	sld [smem:$0x3FB1]  }
0x31: {  	[smem:$0x3FBA] =	sst s10  }
0x32: {  	s10 =	sld [smem:$0x3FB8];
	_ =	sdelay $0x3  }
0x33: {  	p0 =	seq.s32 s10, $0x1;
	s10 =	sld [smem:$0x3FBA];
	_ =	sdelay $0x3  }
0x34: {  	[smem:$0x3FBA] =	sst s10  }
0x35: {  	s10 =	sld [smem:$0x3FB9];
	_ =	sdelay $0x3  }
0x36: {  	p1 =	seq.s32 s10, $0x1;
	s10 =	sld [smem:$0x3FBA];
	_ =	sdelay $0x3  }
0x37: {  	[smem:$0x3FBA] =	sst s10  }
0x38: {  	s10 =	sld [smem:$0x3FBB]  }
0x39: {  	_ = 	snop;
	(pc) =	sbr.ind lr, $3  }
0x3a: {  	_ = 	snop  }
0x3b: {  	_ = 	snop  }
0x3c: {  	p2 =	seq.s32 s10, $0x1;
	s10 =	sld [smem:$0x3FBA]  }
0x3d: {  	_ =	shalt  }
0x3e: {  	_ =	shalt  }
0x3f: {  	_ =	shalt  }
0x40: {  	_ =	shalt  }
0x41: {  	_ =	shalt  }
0x42: {  	_ =	shalt  }
0x43: {  	_ =	shalt  }
0x44: {  	_ =	shalt  }
0x45: {  	_ =	shalt  }
0x46: {  	_ =	shalt  }
0x47: {  	_ =	shalt  }
0x48: {  	_ =	shalt  }
0x49: {  	_ =	shalt  }
0x4a: {  	_ =	shalt  }
0x4b: {  	_ =	shalt  }
0x4c: {  	_ =	shalt  }
0x4d: {  	_ =	shalt  }
0x4e: {  	_ =	shalt  }
0x4f: {  	_ =	shalt  }
0x50: {  	_ =	shalt  }
0x51: {  	_ =	shalt  }
0x52: {  	_ =	shalt  }
0x53: {  	_ =	shalt  }
0x54: {  	_ =	shalt  }
0x55: {  	_ =	shalt  }
0x56: {  	_ =	shalt  }
0x57: {  	_ =	shalt  }
0x58: {  	_ =	shalt  }
0x59: {  	_ =	shalt  }
0x5a: {  	_ =	shalt  }
0x5b: {  	_ =	shalt  }
0x5c: {  	_ =	shalt  }
0x5d: {  	_ =	shalt  }
0x5e: {  	_ =	shalt  }
0x5f: {  	_ =	shalt  }
0x60: {  	_ =	shalt  }
0x61: {  	_ =	shalt  }
0x62: {  	_ =	shalt  }
0x63: {  	_ =	shalt  }
0x64: {  	_ =	shalt  }
0x65: {  	_ =	shalt  }
0x66: {  	_ =	shalt  }
0x67: {  	_ =	shalt  }
0x68: {  	_ =	shalt  }
0x69: {  	_ =	shalt  }
0x6a: {  	_ =	shalt  }
0x6b: {  	_ =	shalt  }
0x6c: {  	_ =	shalt  }
0x6d: {  	_ =	shalt  }
0x6e: {  	_ =	shalt  }
0x6f: {  	_ =	shalt  }
0x70: {  	_ =	shalt  }
0x71: {  	_ =	shalt  }
0x72: {  	_ =	shalt  }
0x73: {  	_ =	shalt  }
0x74: {  	_ =	shalt  }
0x75: {  	_ =	shalt  }
0x76: {  	_ =	shalt  }
0x77: {  	_ =	shalt  }
0x78: {  	_ =	shalt  }
0x79: {  	_ =	shalt  }
0x7a: {  	_ =	shalt  }
0x7b: {  	_ =	shalt  }
0x7c: {  	_ =	shalt  }
0x7d: {  	_ =	shalt  }
0x7e: {  	_ =	shalt  }
0x7f: {  	_ =	shalt  }
0x80: {  	_ =	shalt  }
0x81: {  	_ =	shalt  }
0x82: {  	_ =	shalt  }
0x83: {  	_ =	shalt  }
0x84: {  	_ =	shalt  }
0x85: {  	_ =	shalt  }
0x86: {  	_ =	shalt  }
0x87: {  	_ =	shalt  }
.Lfunc_end0:
.L_simem_size_0:
called_computation_lowered:
.L_overlay_start_0:
0x88: {  	s2 =	sld [smem:$0x3FD9]  }
0x89: {  	s3 =	sld [smem:$0x3FFE];
	_ =	sdelay $0x1  }
0x8a: {  	s1 =	srdreg.scid  }
0x8b: {  	s0 =	sand.u32 $0x1, s1  }
0x8c: {  	s18 =	sshll.u32 s0, $0xA;
	s2 =	sadd.s32 s3, s2  }
0x8d: {  	s2 =	sadd.s32 s2, s18  }
0x8e: {  	[smem:$0x3FC6] =	sst s2  }
0x8f: {  	_ = 	snop  }
0x90: {  	s2 =	sld [smem:$0x3FC9]  }
0x91: {  	s19 =	sld [smem:$0x3FC8]  }
0x92: {  	s4 =	sld [smem:$0x3FD0];
	(tm) =	ssettm $0x1  }
0x93: {  	s5 =	sld [smem:$0x3FFB];
	_ =	sdelay $0x3  }
0x94: {  	_ =	strace s5  }
0x95: {  	s5 =	sld [smem:$0x3FFC];
	_ =	sdelay $0x3  }
0x96: {  	_ =	strace s5  }
0x97: {  	s5 =	sld [smem:$0x3FFD];
	_ =	sdelay $0x3  }
0x98: {  	_ =	strace s5  }
0x99: {  	_ =	strace $0x8FFFFFFF  }
0x9a: {  	s20 =	sld [smem:$0x3FDB];
	_ =	sdelay $0x1  }
0x9b: {  	s6 =	simm.s32 $_scs_section_size  }
0x9c: {  	s7 =	simm.s32 $_size__tile_overlayer_lowered;
	s8 =	simm.s32 $_tile_overlayer_lowered  }
0x9d: {  	s23 =	simm.s32 $0x1BFF;
	s22 =	sshll.u32 s8, $0x1;
	s5 =	sadd.s32 s6, s20  }
0x9e: {  	s9 =	simm.s32 $0x0;
	s21 =	sshll.u32 s7, $0x1;
	s7 =	sadd.s32 s22, s5  }
0x9f: {  	[timem:s9], [sflag:s23] =	dma.local [hbm:s7], s21  }
0xa0: {  	_ =	swait.ge [sflag:s23], s21  }
0xa1: {  	s6 =	ssub.s32 $0x0, s21;
	[sflag:s23] =	ssyncset.done $0x0  }
0xa2: {  	[sflag:s23] =	ssyncadd.s32 s6;
	_ =	sdelay $0x1  }
0xa3: {  	s24 =	simm.s32 $0x1B8B  }
0xa4: {  	_ =	swait.ge [sflag:s24], $0x1  }
0xa5: {  	[sflag:s24] =	ssyncset.done $0x0  }
0xa6: {  	s25 =	simm.s32 $0x1B8E;
	[sflag:s24] =	ssyncadd.s32 $0xFFFFFFFF  }
0xa7: {  	s26 =	simm.s32 $execute0_lowered;
	[smem:$0x3FD2] =	sst s25  }
0xa8: {  	s6 =	sshll.u32 s26, $0x1;
	_ =	strace $0x80000046;
	[dreg:$0x1] =	wrdreg $0xFFFFFFFF  }
0xa9: {  	s28 =	simm.s32 $_size_execute0_lowered;
	s5 =	sadd.s32 s5, s6;
	[dreg:$0x0] =	wrdreg $0x0  }
0xaa: {  	s6 =	sshll.u32 s28, $0x1;
	[dreg:$0x2] =	wrdreg s5  }
0xab: {  	[dreg:$0x3] =	wrdreg s6  }
0xac: {  	[dreg:$0x4] =	wrdreg $0xC0  }
0xad: {  	_ =	task [dreg:s9], $0x5FFFF  }
0xae: {  	[dreg:$0x1] =	wrdreg $0xFFFFFFFF  }
0xaf: {  	[dreg:$0x0] =	wrdreg $0x60  }
0xb0: {  	[dreg:$0x2] =	wrdreg s2  }
0xb1: {  	[dreg:$0x3] =	wrdreg s19  }
0xb2: {  	[dreg:$0x4] =	wrdreg s4  }
0xb3: {  	[dreg:$0x5] =	wrdreg $0x9  }
0xb4: {  	_ =	task.clear_ibuf [dreg:s9], $0x6FFFF;
	_ =	strace $0x90000046  }
0xb5: {  	s29 =	simm.s32 $0x9;
	_ =	strace $0x80000048  }
0xb6: {  	_ =	swait.ge [sflag:s29], $0x1  }
0xb7: {  	[sflag:s29] =	ssyncadd.s32 $0xFFFFFFFF  }
0xb8: {  	_ =	strace $0x90000048  }
0xb9: {  	_ =	sfence  }
0xba: {  	s30 =	sld [smem:$0x0];
	_ =	sdelay $0x2  }
0xbb: {  	s31 =	sshll.u32 s1, $0xD;
	s1 =	sshrl.u32 s1, $0x2  }
0xbc: {  	s3 =	sand.u32 $0x4000, s31;
	s1 =	sadd.s32 s1, s30  }
0xbd: {  	s0 =	sor.u32 s3, s0;
	s1 =	sshll.u32 s1, $0x11  }
0xbe: {  	s0 =	sor.u32 s1, s0  }
0xbf: {  	s0 =	sadd.s32 $0x8F2B, s0  }
0xc0: {  	[sflag:s0] =	ssyncadd.remote.s32 $0x1  }
0xc1: {  	_ =	sfence.sel $0xFFFF  }
0xc2: {  	[dreg:$0x0] =	wrdreg $0xFFFFFFFF;
	(pc) =	sbr.abs _section_cstart, $3  }
0xc3: {  	[dreg:$0x1] =	wrdreg $0xFFFFFFFF  }
0xc4: {  	_ =	task.clear_ibuf [dreg:s9], $0x2FFFF;
	_ =	strace $0x9FFFFFFF  }
0xc5: {  	(tm) =	ssettm $0x7FFFFFFF  }
tec
execute0_lowered:
.L_overlay_start_1:
0x0: {  	(tag) =	ssettag $0x1  }
0x1: {  	s0 =	rddreg [dreg:$0x0];
	s1 =	srdreg.scid  }
0x2: {  	s3 =	stileid.u32;
	s2 =	rddreg [dreg:$0x1]  }
0x3: {  	s10 =	simm.s32 $0x9;
	s11 =	simm.s32 $0x80;
	s12 =	simm.s32 $0x6400  }
0x4: {  	s13 =	simm.s32 $0xA400;
	s14 =	simm.s32 $0x100;
	s15 =	simm.s32 $0xE400  }
0x5: {  	s16 =	simm.s32 $0x1;
	s17 =	simm.s32 $0x12400;
	s18 =	simm.s32 $0x2  }
0x6: {  	s19 =	simm.s32 $0x3;
	s20 =	simm.s32 $0x4;
	s21 =	simm.s32 $0x5  }
0x7: {  	s22 =	simm.s32 $0x6;
	s23 =	simm.s32 $0x7;
	s24 =	simm.s32 $0x8  }
0x8: {  	s25 =	simm.s32 $0x0;
	s1 =	sand.u32 $0x1, s1;
	s4 =	sshll.u32 s3, $0x1  }
.Ltmp0:
0x9: {  	s3 =	rddreg [dreg:$0x2];
	s5 =	sor.u32 s1, s4;
	(pc) =	sbr.rel .LBB2_1-.Ltmp0, $4  }
0xa: {  	s4 =	simm.s32 $0x0;
	s1 =	ssub.s32 $0x2, s1;
	s6 =	smul.u32 $0xC80, s5  }
0xb: {  	[smem:$0x7FF] =	sst s4;
	s5 =	smul.u32 $0x320000, s5;
	s7 =	sshrl.u32 s1, $0x1  }
0xc: {  	_ =	strace $0x80000047;
	s1 =	ssub.s32 s1, s7;
	s6 =	sadd.s32 s0, s6  }
0xd: {  	s7 =	sor.u32 $0x4000, s5;
	s8 =	sor.u32 $0x8000, s5;
	s9 =	smax.u32 s1, $0x1  }
.LBB2_12:
0xe: {  	_ =	swait.ge [sflag:s21], $0x4000  }
0xf: {  	[sflag:s21] =	ssyncset.done $0x0  }
0x10: {  	[sflag:s21] =	ssyncadd.s32 $0xFFFFC000  }
0x11: {  	_ =	swait.ge [sflag:s22], $0x4000  }
0x12: {  	[sflag:s22] =	ssyncset.done $0x0  }
0x13: {  	s25 =	sadd.s32 $0x1, s25;
	[sflag:s22] =	ssyncadd.s32 $0xFFFFC000  }
0x14: {  	p0 =	sne.s32 s25, s9;
	_ =	swait.ge [sflag:s23], $0x4000  }
.Ltmp1:
0x15: {  	[sflag:s23] =	ssyncset.done $0x0;
	(pc) =	sbr.rel @!p0 .LBB2_13-.Ltmp1, $4  }
0x16: {  	[sflag:s23] =	ssyncadd.s32 $0xFFFFC000  }
0x17: {  	_ =	swait.ge [sflag:s24], $0x4000  }
0x18: {  	[sflag:s24] =	ssyncset.done $0x0  }
0x19: {  	[sflag:s24] =	ssyncadd.s32 $0xFFFFC000  }
.LBB2_1:
0x1a: {  	[tilespmem:s4], [sflag:$0x9] =	stream.linear.gather [hbm4b:s6+s4], $0x6400, $0x38;
	[tilespmem:$0x16400] =	vst v63  }
0x1b: {  	_ =	swait.ge [sflag:s10], $0x6400  }
0x1c: {  	[sflag:s10] =	ssyncset.done $0x0  }
0x1d: {  	[sflag:s10] =	ssyncadd.s32 $0xFFFF9C00  }
0x1e: {  	[tilespmem:s12], [sflag:$0x1] =	stream.indirect.gather [hbm4b:s2+s11], $0x80, s4, s11, $0xb8;
	[tilespmem:$0x16400] =	vst v63  }
0x1f: {  	_ = 	snop  }
0x20: {  	[tilespmem:s13], [sflag:$0x2] =	stream.indirect.gather [hbm4b:s2+s11], $0x80, s11, s11, $0xb8;
	[tilespmem:$0x16400] =	vst v63  }
0x21: {  	s26 =	simm.s32 $0x0  }
0x22: {  	[tilespmem:s15], [sflag:$0x3] =	stream.indirect.gather [hbm4b:s2+s11], $0x80, s14, s11, $0xb8;
	[tilespmem:$0x16400] =	vst v63  }
.LBB2_2:
0x23: {  	_ =	swait.ge [sflag:s16], $0x4000  }
0x24: {  	[sflag:s16] =	ssyncset.done $0x0  }
0x25: {  	s28 =	simm.s32 $0x6600;
	[sflag:s16] =	ssyncadd.s32 $0xFFFFC000  }
0x26: {  	v0 =	vld [tilespmem:s28+$0x1B0]  }
0x27: {  	v1 =	vld [tilespmem:s28+$0xFFFFFE10]  }
0x28: {  	v2 =	vld [tilespmem:s28+$0xFFFFFE20]  }
0x29: {  	v3 =	vld [tilespmem:s28+$0xFFFFFE30]  }
0x2a: {  	v4 =	vld [tilespmem:s28+$0xFFFFFE80]  }
0x2b: {  	v5 =	vld [tilespmem:s28+$0xFFFFFE90];
	v0 =	vmul.f32 $8.000000000e+00, v0  }
0x2c: {  	v6 =	vld [tilespmem:s28+$0xFFFFFEA0];
	v1 =	vmul.f32 $8.000000000e+00, v1  }
0x2d: {  	v7 =	vld [tilespmem:s28+$0xFFFFFEB0];
	v2 =	vmul.f32 $8.000000000e+00, v2;
	[tilespmem:s28+$0x1B0] =	vst v0  }
0x2e: {  	[tilespmem:s28+$0xFFFFFE10] =	vst v1;
	v0 =	vmul.f32 $8.000000000e+00, v3;
	v1 =	vld [tilespmem:s28+$0xFFFFFF00]  }
0x2f: {  	[tilespmem:s28+$0xFFFFFE20] =	vst v2;
	v2 =	vmul.f32 $8.000000000e+00, v4;
	v3 =	vld [tilespmem:s28+$0xFFFFFF10]  }
0x30: {  	v4 =	vld [tilespmem:s28+$0xFFFFFF20];
	[tilespmem:s28+$0xFFFFFE30] =	vst v0;
	v0 =	vmul.f32 $8.000000000e+00, v5  }
0x31: {  	[tilespmem:s28+$0xFFFFFE80] =	vst v2;
	v2 =	vmul.f32 $8.000000000e+00, v6;
	v5 =	vld [tilespmem:s28+$0xFFFFFF30]  }
0x32: {  	v6 =	vld [tilespmem:s28+$0xFFFFFF80];
	[tilespmem:s28+$0xFFFFFE90] =	vst v0;
	v0 =	vmul.f32 $8.000000000e+00, v7  }
0x33: {  	[tilespmem:s28+$0xFFFFFEA0] =	vst v2;
	v2 =	vld [tilespmem:s28+$0xFFFFFF90];
	v1 =	vmul.f32 $8.000000000e+00, v1  }
0x34: {  	[tilespmem:s28+$0xFFFFFEB0] =	vst v0;
	v0 =	vmul.f32 $8.000000000e+00, v3;
	v3 =	vld [tilespmem:s28+$0xFFFFFFA0]  }
0x35: {  	[tilespmem:s28+$0xFFFFFF00] =	vst v1;
	v1 =	vmul.f32 $8.000000000e+00, v4;
	v4 =	vld [tilespmem:s28+$0xFFFFFFB0]  }
0x36: {  	[tilespmem:s28+$0xFFFFFF10] =	vst v0;
	v0 =	vmul.f32 $8.000000000e+00, v5;
	v5 =	vld [tilespmem:s28+$0x0]  }
0x37: {  	[tilespmem:s28+$0xFFFFFF20] =	vst v1;
	v1 =	vmul.f32 $8.000000000e+00, v6;
	v6 =	vld [tilespmem:s28+$0x10]  }
0x38: {  	[tilespmem:s28+$0xFFFFFF30] =	vst v0;
	v0 =	vmul.f32 $8.000000000e+00, v2;
	v2 =	vld [tilespmem:s28+$0x20]  }
0x39: {  	[tilespmem:s28+$0xFFFFFF80] =	vst v1;
	v1 =	vmul.f32 $8.000000000e+00, v3;
	v3 =	vld [tilespmem:s28+$0x30]  }
0x3a: {  	[tilespmem:s28+$0xFFFFFF90] =	vst v0;
	v0 =	vmul.f32 $8.000000000e+00, v4;
	v4 =	vld [tilespmem:s28+$0x80]  }
0x3b: {  	[tilespmem:s28+$0xFFFFFFA0] =	vst v1;
	v1 =	vmul.f32 $8.000000000e+00, v5;
	v5 =	vld [tilespmem:s28+$0x90]  }
0x3c: {  	[tilespmem:s28+$0xFFFFFFB0] =	vst v0;
	v0 =	vmul.f32 $8.000000000e+00, v6;
	v6 =	vld [tilespmem:s28+$0xA0]  }
0x3d: {  	[tilespmem:s28+$0x0] =	vst v1;
	v1 =	vmul.f32 $8.000000000e+00, v2;
	v2 =	vld [tilespmem:s28+$0xB0]  }
0x3e: {  	[tilespmem:s28+$0x10] =	vst v0;
	v0 =	vmul.f32 $8.000000000e+00, v3;
	v3 =	vld [tilespmem:s28+$0x100]  }
0x3f: {  	[tilespmem:s28+$0x20] =	vst v1;
	v1 =	vmul.f32 $8.000000000e+00, v4;
	v4 =	vld [tilespmem:s28+$0x110]  }
0x40: {  	v7 =	vld [tilespmem:s28+$0x120];
	[tilespmem:s28+$0x30] =	vst v0;
	v5 =	vmul.f32 $8.000000000e+00, v5  }
0x41: {  	v0 =	vld [tilespmem:s28+$0x130];
	[tilespmem:s28+$0x80] =	vst v1;
	v6 =	vmul.f32 $8.000000000e+00, v6  }
0x42: {  	v1 =	vld [tilespmem:s28+$0x180];
	[tilespmem:s28+$0x90] =	vst v5;
	v5 =	vmul.f32 $8.000000000e+00, v2  }
0x43: {  	v2 =	vld [tilespmem:s28+$0x190];
	[tilespmem:s28+$0xA0] =	vst v6;
	v6 =	vmul.f32 $8.000000000e+00, v3  }
0x44: {  	v3 =	vld [tilespmem:s28+$0x1A0];
	[tilespmem:s28+$0xB0] =	vst v5;
	v5 =	vmul.f32 $8.000000000e+00, v4  }
0x45: {  	s29 =	simm.s32 $0x0;
	s1 =	simm.s32 $0x6A00;
	v4 =	vld [tilespmem:s28+$0xFFFFFE00];
	[tilespmem:s28+$0x100] =	vst v6;
	v6 =	vmul.f32 $8.000000000e+00, v7  }
.LBB2_3:
0x46: {  	v7 =	vld [tilespmem:s1+$0x1B0];
	s29 =	sadd.s32 $0x8, s29;
	[tilespmem:s28+$0x110] =	vst v5;
	v0 =	vmul.f32 $8.000000000e+00, v0  }
0x47: {  	v5 =	vld [tilespmem:s1+$0xFFFFFE10];
	p0 =	slt.u32 s29, $0x78;
	[tilespmem:s28+$0x120] =	vst v6;
	v1 =	vmul.f32 $8.000000000e+00, v1  }
0x48: {  	v6 =	vld [tilespmem:s1+$0xFFFFFE20];
	[tilespmem:s28+$0x130] =	vst v0;
	v0 =	vmul.f32 $8.000000000e+00, v2  }
0x49: {  	v2 =	vld [tilespmem:s1+$0xFFFFFE30];
	[tilespmem:s28+$0x180] =	vst v1;
	v1 =	vmul.f32 $8.000000000e+00, v3  }
0x4a: {  	v3 =	vld [tilespmem:s1+$0xFFFFFE80];
	v4 =	vmul.f32 $8.000000000e+00, v4;
	[tilespmem:s28+$0x190] =	vst v0  }
0x4b: {  	v0 =	vld [tilespmem:s1+$0xFFFFFE90];
	v7 =	vmul.f32 $8.000000000e+00, v7;
	[tilespmem:s28+$0x1A0] =	vst v1  }
0x4c: {  	v1 =	vmul.f32 $8.000000000e+00, v5;
	v5 =	vld [tilespmem:s1+$0xFFFFFEA0];
	[tilespmem:s28+$0xFFFFFE00] =	vst v4;
	s28 =	smov.u32 s1  }
0x4d: {  	v4 =	vmul.f32 $8.000000000e+00, v6;
	v6 =	vld [tilespmem:s1+$0xFFFFFEB0];
	[tilespmem:s1+$0x1B0] =	vst v7  }
0x4e: {  	[tilespmem:s1+$0xFFFFFE10] =	vst v1;
	v1 =	vmul.f32 $8.000000000e+00, v2;
	v2 =	vld [tilespmem:s1+$0xFFFFFF00]  }
0x4f: {  	[tilespmem:s1+$0xFFFFFE20] =	vst v4;
	v3 =	vmul.f32 $8.000000000e+00, v3;
	v4 =	vld [tilespmem:s1+$0xFFFFFF10]  }
0x50: {  	[tilespmem:s1+$0xFFFFFE30] =	vst v1;
	v0 =	vmul.f32 $8.000000000e+00, v0;
	v1 =	vld [tilespmem:s1+$0xFFFFFF20]  }
0x51: {  	[tilespmem:s1+$0xFFFFFE80] =	vst v3;
	v3 =	vmul.f32 $8.000000000e+00, v5;
	v5 =	vld [tilespmem:s1+$0xFFFFFF30]  }
0x52: {  	[tilespmem:s1+$0xFFFFFE90] =	vst v0;
	v0 =	vmul.f32 $8.000000000e+00, v6;
	v6 =	vld [tilespmem:s1+$0xFFFFFF80]  }
0x53: {  	[tilespmem:s1+$0xFFFFFEA0] =	vst v3;
	v2 =	vmul.f32 $8.000000000e+00, v2;
	v3 =	vld [tilespmem:s1+$0xFFFFFF90]  }
0x54: {  	[tilespmem:s1+$0xFFFFFEB0] =	vst v0;
	v0 =	vmul.f32 $8.000000000e+00, v4;
	v4 =	vld [tilespmem:s1+$0xFFFFFFA0]  }
0x55: {  	[tilespmem:s1+$0xFFFFFF00] =	vst v2;
	v1 =	vmul.f32 $8.000000000e+00, v1;
	v2 =	vld [tilespmem:s1+$0xFFFFFFB0]  }
0x56: {  	[tilespmem:s1+$0xFFFFFF10] =	vst v0;
	v0 =	vmul.f32 $8.000000000e+00, v5;
	v5 =	vld [tilespmem:s1+$0x0]  }
0x57: {  	[tilespmem:s1+$0xFFFFFF20] =	vst v1;
	v1 =	vmul.f32 $8.000000000e+00, v6;
	v6 =	vld [tilespmem:s1+$0x10]  }
0x58: {  	[tilespmem:s1+$0xFFFFFF30] =	vst v0;
	v0 =	vmul.f32 $8.000000000e+00, v3;
	v3 =	vld [tilespmem:s1+$0x20]  }
0x59: {  	[tilespmem:s1+$0xFFFFFF80] =	vst v1;
	v1 =	vmul.f32 $8.000000000e+00, v4;
	v4 =	vld [tilespmem:s1+$0x30]  }
0x5a: {  	[tilespmem:s1+$0xFFFFFF90] =	vst v0;
	v0 =	vmul.f32 $8.000000000e+00, v2;
	v2 =	vld [tilespmem:s1+$0x80]  }
0x5b: {  	[tilespmem:s1+$0xFFFFFFA0] =	vst v1;
	v1 =	vmul.f32 $8.000000000e+00, v5;
	v5 =	vld [tilespmem:s1+$0x90]  }
0x5c: {  	[tilespmem:s1+$0xFFFFFFB0] =	vst v0;
	v0 =	vmul.f32 $8.000000000e+00, v6;
	v6 =	vld [tilespmem:s1+$0xA0]  }
0x5d: {  	[tilespmem:s1+$0x0] =	vst v1;
	v1 =	vmul.f32 $8.000000000e+00, v3;
	v3 =	vld [tilespmem:s1+$0xB0]  }
0x5e: {  	[tilespmem:s1+$0x10] =	vst v0;
	v0 =	vmul.f32 $8.000000000e+00, v4;
	v4 =	vld [tilespmem:s1+$0x100]  }
0x5f: {  	[tilespmem:s1+$0x20] =	vst v1;
	v1 =	vmul.f32 $8.000000000e+00, v2;
	v7 =	vld [tilespmem:s1+$0x110]  }
0x60: {  	[tilespmem:s1+$0x30] =	vst v0;
	v2 =	vmul.f32 $8.000000000e+00, v5;
	v8 =	vld [tilespmem:s1+$0x120]  }
.Ltmp2:
0x61: {  	[tilespmem:s1+$0x80] =	vst v1;
	v5 =	vmul.f32 $8.000000000e+00, v6;
	v0 =	vld [tilespmem:s1+$0x130];
	(pc) =	sbr.rel @p0 .LBB2_3-.Ltmp2, $4  }
0x62: {  	[tilespmem:s1+$0x90] =	vst v2;
	v3 =	vmul.f32 $8.000000000e+00, v3;
	v1 =	vld [tilespmem:s1+$0x180]  }
0x63: {  	[tilespmem:s1+$0xA0] =	vst v5;
	v6 =	vmul.f32 $8.000000000e+00, v4;
	v2 =	vld [tilespmem:s1+$0x190]  }
0x64: {  	[tilespmem:s1+$0xB0] =	vst v3;
	v5 =	vmul.f32 $8.000000000e+00, v7;
	v3 =	vld [tilespmem:s1+$0x1A0]  }
0x65: {  	s1 =	sadd.s32 $0x400, s1;
	v4 =	vld [tilespmem:s28+$0xFFFFFE00];
	[tilespmem:s28+$0x100] =	vst v6;
	v6 =	vmul.f32 $8.000000000e+00, v8  }
0x66: {  	[tilespmem:s28+$0x110] =	vst v5;
	v0 =	vmul.f32 $8.000000000e+00, v0  }
0x67: {  	[tilespmem:s28+$0x120] =	vst v6;
	v1 =	vmul.f32 $8.000000000e+00, v1  }
0x68: {  	[tilespmem:s28+$0x130] =	vst v0;
	v0 =	vmul.f32 $8.000000000e+00, v2  }
0x69: {  	s29 =	sshll.u32 s26, $0x10;
	[tilespmem:s28+$0x180] =	vst v1;
	v1 =	vmul.f32 $8.000000000e+00, v3  }
0x6a: {  	s0 =	sadd.s32 s5, s29;
	v2 =	vmul.f32 $8.000000000e+00, v4;
	[tilespmem:s28+$0x190] =	vst v0  }
0x6b: {  	s0 =	sshrl.u32 s0, $0x3;
	[tilespmem:s28+$0x1A0] =	vst v1  }
0x6c: {  	p0 =	seq.s32 s26, $0x0;
	s0 =	sadd.s32 s3, s0;
	[tilespmem:s28+$0xFFFFFE00] =	vst v2  }
0x6d: {  	[hbm4b:s0+s4] =	stream.linear.scatter [tilespmem:s12], [sflag:$0x5], $0x4000, $0x38;
	[tilespmem:$0x16400] =	vst v63  }
0x6e: {  	s0 =	simm.s32 @!p0 $0x8  }
0x6f: {  	s28 =	sshllo.u32 s26, $0x2;
	_ =	swait.ge @!p0 [sflag:s0], $0x4000  }
0x70: {  	s1 =	sshll.u32 s28, $0x7;
	[sflag:s0] =	ssyncset.done @!p0 $0x0  }
0x71: {  	s1 =	sand.u32 $0x3FFFFF80, s1;
	[sflag:s0] =	ssyncadd.s32 @!p0 $0xFFFFC000  }
0x72: {  	[tilespmem:s17], [sflag:$0x4] =	stream.indirect.gather [hbm4b:s2+s11], $0x80, s1, s11, $0xb8;
	[tilespmem:$0x16400] =	vst v63  }
0x73: {  	_ =	swait.ge [sflag:s18], $0x4000  }
0x74: {  	[sflag:s18] =	ssyncset.done $0x0  }
0x75: {  	s30 =	simm.s32 $0xA400;
	[sflag:s18] =	ssyncadd.s32 $0xFFFFC000  }
0x76: {  	v0 =	vld [tilespmem:s30+$0x3B0]  }
0x77: {  	v1 =	vld [tilespmem:s30+$0x10]  }
0x78: {  	v2 =	vld [tilespmem:s30+$0x20]  }
0x79: {  	v3 =	vld [tilespmem:s30+$0x30]  }
0x7a: {  	v4 =	vld [tilespmem:s30+$0x80]  }
0x7b: {  	v5 =	vld [tilespmem:s30+$0x90];
	v0 =	vmul.f32 $8.000000000e+00, v0  }
0x7c: {  	v6 =	vld [tilespmem:s30+$0xA0];
	v1 =	vmul.f32 $8.000000000e+00, v1  }
0x7d: {  	v7 =	vld [tilespmem:s30+$0xB0];
	v2 =	vmul.f32 $8.000000000e+00, v2;
	[tilespmem:s30+$0x3B0] =	vst v0  }
0x7e: {  	[tilespmem:s30+$0x10] =	vst v1;
	v0 =	vmul.f32 $8.000000000e+00, v3;
	v1 =	vld [tilespmem:s30+$0x100]  }
0x7f: {  	[tilespmem:s30+$0x20] =	vst v2;
	v2 =	vmul.f32 $8.000000000e+00, v4;
	v3 =	vld [tilespmem:s30+$0x110]  }
0x80: {  	v4 =	vld [tilespmem:s30+$0x120];
	[tilespmem:s30+$0x30] =	vst v0;
	v0 =	vmul.f32 $8.000000000e+00, v5  }
0x81: {  	[tilespmem:s30+$0x80] =	vst v2;
	v2 =	vmul.f32 $8.000000000e+00, v6;
	v5 =	vld [tilespmem:s30+$0x130]  }
0x82: {  	v6 =	vld [tilespmem:s30+$0x180];
	[tilespmem:s30+$0x90] =	vst v0;
	v0 =	vmul.f32 $8.000000000e+00, v7  }
0x83: {  	[tilespmem:s30+$0xA0] =	vst v2;
	v2 =	vld [tilespmem:s30+$0x190];
	v1 =	vmul.f32 $8.000000000e+00, v1  }
0x84: {  	[tilespmem:s30+$0xB0] =	vst v0;
	v0 =	vmul.f32 $8.000000000e+00, v3;
	v3 =	vld [tilespmem:s30+$0x1A0]  }
0x85: {  	[tilespmem:s30+$0x100] =	vst v1;
	v1 =	vmul.f32 $8.000000000e+00, v4;
	v4 =	vld [tilespmem:s30+$0x1B0]  }
0x86: {  	[tilespmem:s30+$0x110] =	vst v0;
	v0 =	vmul.f32 $8.000000000e+00, v5;
	v5 =	vld [tilespmem:s30+$0x200]  }
0x87: {  	[tilespmem:s30+$0x120] =	vst v1;
	v1 =	vmul.f32 $8.000000000e+00, v6;
	v6 =	vld [tilespmem:s30+$0x210]  }
0x88: {  	[tilespmem:s30+$0x130] =	vst v0;
	v0 =	vmul.f32 $8.000000000e+00, v2;
	v2 =	vld [tilespmem:s30+$0x220]  }
0x89: {  	[tilespmem:s30+$0x180] =	vst v1;
	v1 =	vmul.f32 $8.000000000e+00, v3;
	v3 =	vld [tilespmem:s30+$0x230]  }
0x8a: {  	[tilespmem:s30+$0x190] =	vst v0;
	v0 =	vmul.f32 $8.000000000e+00, v4;
	v4 =	vld [tilespmem:s30+$0x280]  }
0x8b: {  	[tilespmem:s30+$0x1A0] =	vst v1;
	v1 =	vmul.f32 $8.000000000e+00, v5;
	v5 =	vld [tilespmem:s30+$0x290]  }
0x8c: {  	[tilespmem:s30+$0x1B0] =	vst v0;
	v0 =	vmul.f32 $8.000000000e+00, v6;
	v6 =	vld [tilespmem:s30+$0x2A0]  }
0x8d: {  	[tilespmem:s30+$0x200] =	vst v1;
	v1 =	vmul.f32 $8.000000000e+00, v2;
	v2 =	vld [tilespmem:s30+$0x2B0]  }
0x8e: {  	[tilespmem:s30+$0x210] =	vst v0;
	v0 =	vmul.f32 $8.000000000e+00, v3;
	v3 =	vld [tilespmem:s30+$0x300]  }
0x8f: {  	[tilespmem:s30+$0x220] =	vst v1;
	v1 =	vmul.f32 $8.000000000e+00, v4;
	v4 =	vld [tilespmem:s30+$0x310]  }
0x90: {  	v7 =	vld [tilespmem:s30+$0x320];
	[tilespmem:s30+$0x230] =	vst v0;
	v5 =	vmul.f32 $8.000000000e+00, v5  }
0x91: {  	v0 =	vld [tilespmem:s30+$0x330];
	[tilespmem:s30+$0x280] =	vst v1;
	v6 =	vmul.f32 $8.000000000e+00, v6  }
0x92: {  	v1 =	vld [tilespmem:s30+$0x380];
	[tilespmem:s30+$0x290] =	vst v5;
	v5 =	vmul.f32 $8.000000000e+00, v2  }
0x93: {  	v2 =	vld [tilespmem:s30+$0x390];
	[tilespmem:s30+$0x2A0] =	vst v6;
	v6 =	vmul.f32 $8.000000000e+00, v3  }
0x94: {  	v3 =	vld [tilespmem:s30+$0x3A0];
	[tilespmem:s30+$0x2B0] =	vst v5;
	v5 =	vmul.f32 $8.000000000e+00, v4  }
0x95: {  	s31 =	simm.s32 $0x0;
	s1 =	simm.s32 $0xA800;
	v4 =	vld [tilespmem:s30+$0x0];
	[tilespmem:s30+$0x300] =	vst v6;
	v6 =	vmul.f32 $8.000000000e+00, v7  }
.LBB2_5:
0x96: {  	v7 =	vld [tilespmem:s1+$0x3B0];
	s31 =	sadd.s32 $0x8, s31;
	[tilespmem:s30+$0x310] =	vst v5;
	v0 =	vmul.f32 $8.000000000e+00, v0  }
0x97: {  	v5 =	vld [tilespmem:s1+$0x10];
	p0 =	slt.u32 s31, $0x78;
	[tilespmem:s30+$0x320] =	vst v6;
	v1 =	vmul.f32 $8.000000000e+00, v1  }
0x98: {  	v6 =	vld [tilespmem:s1+$0x20];
	[tilespmem:s30+$0x330] =	vst v0;
	v0 =	vmul.f32 $8.000000000e+00, v2  }
0x99: {  	v2 =	vld [tilespmem:s1+$0x30];
	[tilespmem:s30+$0x380] =	vst v1;
	v1 =	vmul.f32 $8.000000000e+00, v3  }
0x9a: {  	v3 =	vld [tilespmem:s1+$0x80];
	v4 =	vmul.f32 $8.000000000e+00, v4;
	[tilespmem:s30+$0x390] =	vst v0  }
0x9b: {  	v0 =	vld [tilespmem:s1+$0x90];
	v7 =	vmul.f32 $8.000000000e+00, v7;
	[tilespmem:s30+$0x3A0] =	vst v1  }
0x9c: {  	v1 =	vmul.f32 $8.000000000e+00, v5;
	v5 =	vld [tilespmem:s1+$0xA0];
	[tilespmem:s30+$0x0] =	vst v4;
	s30 =	smov.u32 s1  }
0x9d: {  	v4 =	vmul.f32 $8.000000000e+00, v6;
	v6 =	vld [tilespmem:s1+$0xB0];
	[tilespmem:s1+$0x3B0] =	vst v7  }
0x9e: {  	[tilespmem:s1+$0x10] =	vst v1;
	v1 =	vmul.f32 $8.000000000e+00, v2;
	v2 =	vld [tilespmem:s1+$0x100]  }
0x9f: {  	[tilespmem:s1+$0x20] =	vst v4;
	v3 =	vmul.f32 $8.000000000e+00, v3;
	v4 =	vld [tilespmem:s1+$0x110]  }
0xa0: {  	[tilespmem:s1+$0x30] =	vst v1;
	v0 =	vmul.f32 $8.000000000e+00, v0;
	v1 =	vld [tilespmem:s1+$0x120]  }
0xa1: {  	[tilespmem:s1+$0x80] =	vst v3;
	v3 =	vmul.f32 $8.000000000e+00, v5;
	v5 =	vld [tilespmem:s1+$0x130]  }
0xa2: {  	[tilespmem:s1+$0x90] =	vst v0;
	v0 =	vmul.f32 $8.000000000e+00, v6;
	v6 =	vld [tilespmem:s1+$0x180]  }
0xa3: {  	[tilespmem:s1+$0xA0] =	vst v3;
	v2 =	vmul.f32 $8.000000000e+00, v2;
	v3 =	vld [tilespmem:s1+$0x190]  }
0xa4: {  	[tilespmem:s1+$0xB0] =	vst v0;
	v0 =	vmul.f32 $8.000000000e+00, v4;
	v4 =	vld [tilespmem:s1+$0x1A0]  }
0xa5: {  	[tilespmem:s1+$0x100] =	vst v2;
	v1 =	vmul.f32 $8.000000000e+00, v1;
	v2 =	vld [tilespmem:s1+$0x1B0]  }
0xa6: {  	[tilespmem:s1+$0x110] =	vst v0;
	v0 =	vmul.f32 $8.000000000e+00, v5;
	v5 =	vld [tilespmem:s1+$0x200]  }
0xa7: {  	[tilespmem:s1+$0x120] =	vst v1;
	v1 =	vmul.f32 $8.000000000e+00, v6;
	v6 =	vld [tilespmem:s1+$0x210]  }
0xa8: {  	[tilespmem:s1+$0x130] =	vst v0;
	v0 =	vmul.f32 $8.000000000e+00, v3;
	v3 =	vld [tilespmem:s1+$0x220]  }
0xa9: {  	[tilespmem:s1+$0x180] =	vst v1;
	v1 =	vmul.f32 $8.000000000e+00, v4;
	v4 =	vld [tilespmem:s1+$0x230]  }
0xaa: {  	[tilespmem:s1+$0x190] =	vst v0;
	v0 =	vmul.f32 $8.000000000e+00, v2;
	v2 =	vld [tilespmem:s1+$0x280]  }
0xab: {  	[tilespmem:s1+$0x1A0] =	vst v1;
	v1 =	vmul.f32 $8.000000000e+00, v5;
	v5 =	vld [tilespmem:s1+$0x290]  }
0xac: {  	[tilespmem:s1+$0x1B0] =	vst v0;
	v0 =	vmul.f32 $8.000000000e+00, v6;
	v6 =	vld [tilespmem:s1+$0x2A0]  }
0xad: {  	[tilespmem:s1+$0x200] =	vst v1;
	v1 =	vmul.f32 $8.000000000e+00, v3;
	v3 =	vld [tilespmem:s1+$0x2B0]  }
0xae: {  	[tilespmem:s1+$0x210] =	vst v0;
	v0 =	vmul.f32 $8.000000000e+00, v4;
	v4 =	vld [tilespmem:s1+$0x300]  }
0xaf: {  	[tilespmem:s1+$0x220] =	vst v1;
	v1 =	vmul.f32 $8.000000000e+00, v2;
	v7 =	vld [tilespmem:s1+$0x310]  }
0xb0: {  	[tilespmem:s1+$0x230] =	vst v0;
	v2 =	vmul.f32 $8.000000000e+00, v5;
	v8 =	vld [tilespmem:s1+$0x320]  }
.Ltmp3:
0xb1: {  	[tilespmem:s1+$0x280] =	vst v1;
	v5 =	vmul.f32 $8.000000000e+00, v6;
	v0 =	vld [tilespmem:s1+$0x330];
	(pc) =	sbr.rel @p0 .LBB2_5-.Ltmp3, $4  }
0xb2: {  	[tilespmem:s1+$0x290] =	vst v2;
	v3 =	vmul.f32 $8.000000000e+00, v3;
	v1 =	vld [tilespmem:s1+$0x380]  }
0xb3: {  	[tilespmem:s1+$0x2A0] =	vst v5;
	v6 =	vmul.f32 $8.000000000e+00, v4;
	v2 =	vld [tilespmem:s1+$0x390]  }
0xb4: {  	[tilespmem:s1+$0x2B0] =	vst v3;
	v5 =	vmul.f32 $8.000000000e+00, v7;
	v3 =	vld [tilespmem:s1+$0x3A0]  }
0xb5: {  	s1 =	sadd.s32 $0x400, s1;
	v4 =	vld [tilespmem:s30+$0x0];
	[tilespmem:s30+$0x300] =	vst v6;
	v6 =	vmul.f32 $8.000000000e+00, v8  }
0xb6: {  	[tilespmem:s30+$0x310] =	vst v5;
	v0 =	vmul.f32 $8.000000000e+00, v0  }
0xb7: {  	[tilespmem:s30+$0x320] =	vst v6;
	v1 =	vmul.f32 $8.000000000e+00, v1  }
0xb8: {  	[tilespmem:s30+$0x330] =	vst v0;
	v0 =	vmul.f32 $8.000000000e+00, v2  }
0xb9: {  	[tilespmem:s30+$0x380] =	vst v1;
	v1 =	vmul.f32 $8.000000000e+00, v3  }
0xba: {  	s0 =	sadd.s32 s29, s7;
	v2 =	vmul.f32 $8.000000000e+00, v4;
	[tilespmem:s30+$0x390] =	vst v0  }
0xbb: {  	s0 =	sshrl.u32 s0, $0x3;
	[tilespmem:s30+$0x3A0] =	vst v1  }
0xbc: {  	p0 =	seq.s32 s26, $0x31;
	s0 =	sadd.s32 s3, s0;
	[tilespmem:s30+$0x0] =	vst v2  }
0xbd: {  	[hbm4b:s0+s4] =	stream.linear.scatter [tilespmem:s13], [sflag:$0x6], $0x4000, $0x38;
	[tilespmem:$0x16400] =	vst v63  }
0xbe: {  	s0 =	simm.s32 @!p0 $0x5  }
0xbf: {  	s1 =	sshll.u32 @!p0 s26, $0x9;
	_ =	swait.ge @!p0 [sflag:s0], $0x4000  }
0xc0: {  	s31 =	simm.s32 @!p0 $0x6400;
	s30 =	sand.u32 @!p0 $0x3FFFFE00, s1;
	[sflag:s0] =	ssyncset.done @!p0 $0x0  }
0xc1: {  	s1 =	simm.s32 @!p0 $0x80;
	[sflag:s0] =	ssyncadd.s32 @!p0 $0xFFFFC000;
	s0 =	sadd.s32 @!p0 $0x200, s30  }
0xc2: {  	[tilespmem:s31], [sflag:$0x1] =	stream.indirect.gather @!p0 [hbm4b:s2+s1], $0x80, s0, s1, $0xb8;
	[tilespmem:$0x16400] =	vst v63  }
0xc3: {  	_ =	swait.ge [sflag:s19], $0x4000  }
0xc4: {  	[sflag:s19] =	ssyncset.done $0x0  }
0xc5: {  	s31 =	simm.s32 $0xE400;
	[sflag:s19] =	ssyncadd.s32 $0xFFFFC000  }
0xc6: {  	v0 =	vld [tilespmem:s31+$0x3B0]  }
0xc7: {  	v1 =	vld [tilespmem:s31+$0x10]  }
0xc8: {  	v2 =	vld [tilespmem:s31+$0x20]  }
0xc9: {  	v3 =	vld [tilespmem:s31+$0x30]  }
0xca: {  	v4 =	vld [tilespmem:s31+$0x80]  }
0xcb: {  	v5 =	vld [tilespmem:s31+$0x90];
	v0 =	vmul.f32 $8.000000000e+00, v0  }
0xcc: {  	v6 =	vld [tilespmem:s31+$0xA0];
	v1 =	vmul.f32 $8.000000000e+00, v1  }
0xcd: {  	v7 =	vld [tilespmem:s31+$0xB0];
	v2 =	vmul.f32 $8.000000000e+00, v2;
	[tilespmem:s31+$0x3B0] =	vst v0  }
0xce: {  	[tilespmem:s31+$0x10] =	vst v1;
	v0 =	vmul.f32 $8.000000000e+00, v3;
	v1 =	vld [tilespmem:s31+$0x100]  }
0xcf: {  	[tilespmem:s31+$0x20] =	vst v2;
	v2 =	vmul.f32 $8.000000000e+00, v4;
	v3 =	vld [tilespmem:s31+$0x110]  }
0xd0: {  	v4 =	vld [tilespmem:s31+$0x120];
	[tilespmem:s31+$0x30] =	vst v0;
	v0 =	vmul.f32 $8.000000000e+00, v5  }
0xd1: {  	[tilespmem:s31+$0x80] =	vst v2;
	v2 =	vmul.f32 $8.000000000e+00, v6;
	v5 =	vld [tilespmem:s31+$0x130]  }
0xd2: {  	v6 =	vld [tilespmem:s31+$0x180];
	[tilespmem:s31+$0x90] =	vst v0;
	v0 =	vmul.f32 $8.000000000e+00, v7  }
0xd3: {  	[tilespmem:s31+$0xA0] =	vst v2;
	v2 =	vld [tilespmem:s31+$0x190];
	v1 =	vmul.f32 $8.000000000e+00, v1  }
0xd4: {  	[tilespmem:s31+$0xB0] =	vst v0;
	v0 =	vmul.f32 $8.000000000e+00, v3;
	v3 =	vld [tilespmem:s31+$0x1A0]  }
0xd5: {  	[tilespmem:s31+$0x100] =	vst v1;
	v1 =	vmul.f32 $8.000000000e+00, v4;
	v4 =	vld [tilespmem:s31+$0x1B0]  }
0xd6: {  	[tilespmem:s31+$0x110] =	vst v0;
	v0 =	vmul.f32 $8.000000000e+00, v5;
	v5 =	vld [tilespmem:s31+$0x200]  }
0xd7: {  	[tilespmem:s31+$0x120] =	vst v1;
	v1 =	vmul.f32 $8.000000000e+00, v6;
	v6 =	vld [tilespmem:s31+$0x210]  }
0xd8: {  	[tilespmem:s31+$0x130] =	vst v0;
	v0 =	vmul.f32 $8.000000000e+00, v2;
	v2 =	vld [tilespmem:s31+$0x220]  }
0xd9: {  	[tilespmem:s31+$0x180] =	vst v1;
	v1 =	vmul.f32 $8.000000000e+00, v3;
	v3 =	vld [tilespmem:s31+$0x230]  }
0xda: {  	[tilespmem:s31+$0x190] =	vst v0;
	v0 =	vmul.f32 $8.000000000e+00, v4;
	v4 =	vld [tilespmem:s31+$0x280]  }
0xdb: {  	[tilespmem:s31+$0x1A0] =	vst v1;
	v1 =	vmul.f32 $8.000000000e+00, v5;
	v5 =	vld [tilespmem:s31+$0x290]  }
0xdc: {  	[tilespmem:s31+$0x1B0] =	vst v0;
	v0 =	vmul.f32 $8.000000000e+00, v6;
	v6 =	vld [tilespmem:s31+$0x2A0]  }
0xdd: {  	[tilespmem:s31+$0x200] =	vst v1;
	v1 =	vmul.f32 $8.000000000e+00, v2;
	v2 =	vld [tilespmem:s31+$0x2B0]  }
0xde: {  	[tilespmem:s31+$0x210] =	vst v0;
	v0 =	vmul.f32 $8.000000000e+00, v3;
	v3 =	vld [tilespmem:s31+$0x300]  }
0xdf: {  	[tilespmem:s31+$0x220] =	vst v1;
	v1 =	vmul.f32 $8.000000000e+00, v4;
	v4 =	vld [tilespmem:s31+$0x310]  }
0xe0: {  	v7 =	vld [tilespmem:s31+$0x320];
	[tilespmem:s31+$0x230] =	vst v0;
	v5 =	vmul.f32 $8.000000000e+00, v5  }
0xe1: {  	v0 =	vld [tilespmem:s31+$0x330];
	[tilespmem:s31+$0x280] =	vst v1;
	v6 =	vmul.f32 $8.000000000e+00, v6  }
0xe2: {  	v1 =	vld [tilespmem:s31+$0x380];
	[tilespmem:s31+$0x290] =	vst v5;
	v5 =	vmul.f32 $8.000000000e+00, v2  }
0xe3: {  	v2 =	vld [tilespmem:s31+$0x390];
	[tilespmem:s31+$0x2A0] =	vst v6;
	v6 =	vmul.f32 $8.000000000e+00, v3  }
0xe4: {  	v3 =	vld [tilespmem:s31+$0x3A0];
	[tilespmem:s31+$0x2B0] =	vst v5;
	v5 =	vmul.f32 $8.000000000e+00, v4  }
0xe5: {  	s1 =	simm.s32 $0x0;
	s0 =	simm.s32 $0xE800;
	v4 =	vld [tilespmem:s31+$0x0];
	[tilespmem:s31+$0x300] =	vst v6;
	v6 =	vmul.f32 $8.000000000e+00, v7  }
.LBB2_7:
0xe6: {  	v7 =	vld [tilespmem:s0+$0x3B0];
	s1 =	sadd.s32 $0x8, s1;
	[tilespmem:s31+$0x310] =	vst v5;
	v0 =	vmul.f32 $8.000000000e+00, v0  }
0xe7: {  	v5 =	vld [tilespmem:s0+$0x10];
	p1 =	slt.u32 s1, $0x78;
	[tilespmem:s31+$0x320] =	vst v6;
	v1 =	vmul.f32 $8.000000000e+00, v1  }
0xe8: {  	v6 =	vld [tilespmem:s0+$0x20];
	[tilespmem:s31+$0x330] =	vst v0;
	v0 =	vmul.f32 $8.000000000e+00, v2  }
0xe9: {  	v2 =	vld [tilespmem:s0+$0x30];
	[tilespmem:s31+$0x380] =	vst v1;
	v1 =	vmul.f32 $8.000000000e+00, v3  }
0xea: {  	v3 =	vld [tilespmem:s0+$0x80];
	v4 =	vmul.f32 $8.000000000e+00, v4;
	[tilespmem:s31+$0x390] =	vst v0  }
0xeb: {  	v0 =	vld [tilespmem:s0+$0x90];
	v7 =	vmul.f32 $8.000000000e+00, v7;
	[tilespmem:s31+$0x3A0] =	vst v1  }
0xec: {  	v1 =	vmul.f32 $8.000000000e+00, v5;
	v5 =	vld [tilespmem:s0+$0xA0];
	[tilespmem:s31+$0x0] =	vst v4;
	s31 =	smov.u32 s0  }
0xed: {  	v4 =	vmul.f32 $8.000000000e+00, v6;
	v6 =	vld [tilespmem:s0+$0xB0];
	[tilespmem:s0+$0x3B0] =	vst v7  }
0xee: {  	[tilespmem:s0+$0x10] =	vst v1;
	v1 =	vmul.f32 $8.000000000e+00, v2;
	v2 =	vld [tilespmem:s0+$0x100]  }
0xef: {  	[tilespmem:s0+$0x20] =	vst v4;
	v3 =	vmul.f32 $8.000000000e+00, v3;
	v4 =	vld [tilespmem:s0+$0x110]  }
0xf0: {  	[tilespmem:s0+$0x30] =	vst v1;
	v0 =	vmul.f32 $8.000000000e+00, v0;
	v1 =	vld [tilespmem:s0+$0x120]  }
0xf1: {  	[tilespmem:s0+$0x80] =	vst v3;
	v3 =	vmul.f32 $8.000000000e+00, v5;
	v5 =	vld [tilespmem:s0+$0x130]  }
0xf2: {  	[tilespmem:s0+$0x90] =	vst v0;
	v0 =	vmul.f32 $8.000000000e+00, v6;
	v6 =	vld [tilespmem:s0+$0x180]  }
0xf3: {  	[tilespmem:s0+$0xA0] =	vst v3;
	v2 =	vmul.f32 $8.000000000e+00, v2;
	v3 =	vld [tilespmem:s0+$0x190]  }
0xf4: {  	[tilespmem:s0+$0xB0] =	vst v0;
	v0 =	vmul.f32 $8.000000000e+00, v4;
	v4 =	vld [tilespmem:s0+$0x1A0]  }
0xf5: {  	[tilespmem:s0+$0x100] =	vst v2;
	v1 =	vmul.f32 $8.000000000e+00, v1;
	v2 =	vld [tilespmem:s0+$0x1B0]  }
0xf6: {  	[tilespmem:s0+$0x110] =	vst v0;
	v0 =	vmul.f32 $8.000000000e+00, v5;
	v5 =	vld [tilespmem:s0+$0x200]  }
0xf7: {  	[tilespmem:s0+$0x120] =	vst v1;
	v1 =	vmul.f32 $8.000000000e+00, v6;
	v6 =	vld [tilespmem:s0+$0x210]  }
0xf8: {  	[tilespmem:s0+$0x130] =	vst v0;
	v0 =	vmul.f32 $8.000000000e+00, v3;
	v3 =	vld [tilespmem:s0+$0x220]  }
0xf9: {  	[tilespmem:s0+$0x180] =	vst v1;
	v1 =	vmul.f32 $8.000000000e+00, v4;
	v4 =	vld [tilespmem:s0+$0x230]  }
0xfa: {  	[tilespmem:s0+$0x190] =	vst v0;
	v0 =	vmul.f32 $8.000000000e+00, v2;
	v2 =	vld [tilespmem:s0+$0x280]  }
0xfb: {  	[tilespmem:s0+$0x1A0] =	vst v1;
	v1 =	vmul.f32 $8.000000000e+00, v5;
	v5 =	vld [tilespmem:s0+$0x290]  }
0xfc: {  	[tilespmem:s0+$0x1B0] =	vst v0;
	v0 =	vmul.f32 $8.000000000e+00, v6;
	v6 =	vld [tilespmem:s0+$0x2A0]  }
0xfd: {  	[tilespmem:s0+$0x200] =	vst v1;
	v1 =	vmul.f32 $8.000000000e+00, v3;
	v3 =	vld [tilespmem:s0+$0x2B0]  }
0xfe: {  	[tilespmem:s0+$0x210] =	vst v0;
	v0 =	vmul.f32 $8.000000000e+00, v4;
	v4 =	vld [tilespmem:s0+$0x300]  }
0xff: {  	[tilespmem:s0+$0x220] =	vst v1;
	v1 =	vmul.f32 $8.000000000e+00, v2;
	v7 =	vld [tilespmem:s0+$0x310]  }
0x100: {  	[tilespmem:s0+$0x230] =	vst v0;
	v2 =	vmul.f32 $8.000000000e+00, v5;
	v8 =	vld [tilespmem:s0+$0x320]  }
.Ltmp4:
0x101: {  	[tilespmem:s0+$0x280] =	vst v1;
	v5 =	vmul.f32 $8.000000000e+00, v6;
	v0 =	vld [tilespmem:s0+$0x330];
	(pc) =	sbr.rel @p1 .LBB2_7-.Ltmp4, $4  }
0x102: {  	[tilespmem:s0+$0x290] =	vst v2;
	v3 =	vmul.f32 $8.000000000e+00, v3;
	v1 =	vld [tilespmem:s0+$0x380]  }
0x103: {  	[tilespmem:s0+$0x2A0] =	vst v5;
	v6 =	vmul.f32 $8.000000000e+00, v4;
	v2 =	vld [tilespmem:s0+$0x390]  }
0x104: {  	[tilespmem:s0+$0x2B0] =	vst v3;
	v5 =	vmul.f32 $8.000000000e+00, v7;
	v3 =	vld [tilespmem:s0+$0x3A0]  }
0x105: {  	s0 =	sadd.s32 $0x400, s0;
	v4 =	vld [tilespmem:s31+$0x0];
	[tilespmem:s31+$0x300] =	vst v6;
	v6 =	vmul.f32 $8.000000000e+00, v8  }
0x106: {  	[tilespmem:s31+$0x310] =	vst v5;
	v0 =	vmul.f32 $8.000000000e+00, v0  }
0x107: {  	[tilespmem:s31+$0x320] =	vst v6;
	v1 =	vmul.f32 $8.000000000e+00, v1  }
0x108: {  	[tilespmem:s31+$0x330] =	vst v0;
	v0 =	vmul.f32 $8.000000000e+00, v2  }
0x109: {  	[tilespmem:s31+$0x380] =	vst v1;
	v1 =	vmul.f32 $8.000000000e+00, v3  }
0x10a: {  	s0 =	sadd.s32 s29, s8;
	v2 =	vmul.f32 $8.000000000e+00, v4;
	[tilespmem:s31+$0x390] =	vst v0  }
0x10b: {  	s0 =	sshrl.u32 s0, $0x3;
	[tilespmem:s31+$0x3A0] =	vst v1  }
0x10c: {  	s0 =	sadd.s32 s3, s0;
	[tilespmem:s31+$0x0] =	vst v2  }
0x10d: {  	[hbm4b:s0+s4] =	stream.linear.scatter [tilespmem:s15], [sflag:$0x7], $0x4000, $0x38;
	[tilespmem:$0x16400] =	vst v63  }
0x10e: {  	s0 =	simm.s32 @!p0 $0x6  }
0x10f: {  	_ =	swait.ge @!p0 [sflag:s0], $0x4000  }
0x110: {  	s1 =	simm.s32 @!p0 $0x80;
	[sflag:s0] =	ssyncset.done @!p0 $0x0  }
0x111: {  	s29 =	simm.s32 @!p0 $0xA400;
	[sflag:s0] =	ssyncadd.s32 @!p0 $0xFFFFC000;
	s0 =	sadd.s32 @!p0 $0x280, s30  }
0x112: {  	[tilespmem:s29], [sflag:$0x2] =	stream.indirect.gather @!p0 [hbm4b:s2+s1], $0x80, s0, s1, $0xb8;
	[tilespmem:$0x16400] =	vst v63  }
0x113: {  	_ =	swait.ge [sflag:s20], $0x4000  }
0x114: {  	[sflag:s20] =	ssyncset.done $0x0  }
0x115: {  	s29 =	simm.s32 $0x12400;
	[sflag:s20] =	ssyncadd.s32 $0xFFFFC000  }
0x116: {  	v0 =	vld [tilespmem:s29+$0x3B0]  }
0x117: {  	v1 =	vld [tilespmem:s29+$0x10]  }
0x118: {  	v2 =	vld [tilespmem:s29+$0x20]  }
0x119: {  	v3 =	vld [tilespmem:s29+$0x30]  }
0x11a: {  	v4 =	vld [tilespmem:s29+$0x80]  }
0x11b: {  	v5 =	vld [tilespmem:s29+$0x90];
	v0 =	vmul.f32 $8.000000000e+00, v0  }
0x11c: {  	v6 =	vld [tilespmem:s29+$0xA0];
	v1 =	vmul.f32 $8.000000000e+00, v1  }
0x11d: {  	v7 =	vld [tilespmem:s29+$0xB0];
	v2 =	vmul.f32 $8.000000000e+00, v2;
	[tilespmem:s29+$0x3B0] =	vst v0  }
0x11e: {  	[tilespmem:s29+$0x10] =	vst v1;
	v0 =	vmul.f32 $8.000000000e+00, v3;
	v1 =	vld [tilespmem:s29+$0x100]  }
0x11f: {  	[tilespmem:s29+$0x20] =	vst v2;
	v2 =	vmul.f32 $8.000000000e+00, v4;
	v3 =	vld [tilespmem:s29+$0x110]  }
0x120: {  	v4 =	vld [tilespmem:s29+$0x120];
	[tilespmem:s29+$0x30] =	vst v0;
	v0 =	vmul.f32 $8.000000000e+00, v5  }
0x121: {  	[tilespmem:s29+$0x80] =	vst v2;
	v2 =	vmul.f32 $8.000000000e+00, v6;
	v5 =	vld [tilespmem:s29+$0x130]  }
0x122: {  	v6 =	vld [tilespmem:s29+$0x180];
	[tilespmem:s29+$0x90] =	vst v0;
	v0 =	vmul.f32 $8.000000000e+00, v7  }
0x123: {  	[tilespmem:s29+$0xA0] =	vst v2;
	v2 =	vld [tilespmem:s29+$0x190];
	v1 =	vmul.f32 $8.000000000e+00, v1  }
0x124: {  	[tilespmem:s29+$0xB0] =	vst v0;
	v0 =	vmul.f32 $8.000000000e+00, v3;
	v3 =	vld [tilespmem:s29+$0x1A0]  }
0x125: {  	[tilespmem:s29+$0x100] =	vst v1;
	v1 =	vmul.f32 $8.000000000e+00, v4;
	v4 =	vld [tilespmem:s29+$0x1B0]  }
0x126: {  	[tilespmem:s29+$0x110] =	vst v0;
	v0 =	vmul.f32 $8.000000000e+00, v5;
	v5 =	vld [tilespmem:s29+$0x200]  }
0x127: {  	[tilespmem:s29+$0x120] =	vst v1;
	v1 =	vmul.f32 $8.000000000e+00, v6;
	v6 =	vld [tilespmem:s29+$0x210]  }
0x128: {  	[tilespmem:s29+$0x130] =	vst v0;
	v0 =	vmul.f32 $8.000000000e+00, v2;
	v2 =	vld [tilespmem:s29+$0x220]  }
0x129: {  	[tilespmem:s29+$0x180] =	vst v1;
	v1 =	vmul.f32 $8.000000000e+00, v3;
	v3 =	vld [tilespmem:s29+$0x230]  }
0x12a: {  	[tilespmem:s29+$0x190] =	vst v0;
	v0 =	vmul.f32 $8.000000000e+00, v4;
	v4 =	vld [tilespmem:s29+$0x280]  }
0x12b: {  	[tilespmem:s29+$0x1A0] =	vst v1;
	v1 =	vmul.f32 $8.000000000e+00, v5;
	v5 =	vld [tilespmem:s29+$0x290]  }
0x12c: {  	[tilespmem:s29+$0x1B0] =	vst v0;
	v0 =	vmul.f32 $8.000000000e+00, v6;
	v6 =	vld [tilespmem:s29+$0x2A0]  }
0x12d: {  	[tilespmem:s29+$0x200] =	vst v1;
	v1 =	vmul.f32 $8.000000000e+00, v2;
	v2 =	vld [tilespmem:s29+$0x2B0]  }
0x12e: {  	[tilespmem:s29+$0x210] =	vst v0;
	v0 =	vmul.f32 $8.000000000e+00, v3;
	v3 =	vld [tilespmem:s29+$0x300]  }
0x12f: {  	[tilespmem:s29+$0x220] =	vst v1;
	v1 =	vmul.f32 $8.000000000e+00, v4;
	v4 =	vld [tilespmem:s29+$0x310]  }
0x130: {  	v7 =	vld [tilespmem:s29+$0x320];
	[tilespmem:s29+$0x230] =	vst v0;
	v5 =	vmul.f32 $8.000000000e+00, v5  }
0x131: {  	v0 =	vld [tilespmem:s29+$0x330];
	[tilespmem:s29+$0x280] =	vst v1;
	v6 =	vmul.f32 $8.000000000e+00, v6  }
0x132: {  	v1 =	vld [tilespmem:s29+$0x380];
	[tilespmem:s29+$0x290] =	vst v5;
	v5 =	vmul.f32 $8.000000000e+00, v2  }
0x133: {  	v2 =	vld [tilespmem:s29+$0x390];
	[tilespmem:s29+$0x2A0] =	vst v6;
	v6 =	vmul.f32 $8.000000000e+00, v3  }
0x134: {  	v3 =	vld [tilespmem:s29+$0x3A0];
	[tilespmem:s29+$0x2B0] =	vst v5;
	v5 =	vmul.f32 $8.000000000e+00, v4  }
0x135: {  	s1 =	simm.s32 $0x0;
	s0 =	simm.s32 $0x12800;
	v4 =	vld [tilespmem:s29+$0x0];
	[tilespmem:s29+$0x300] =	vst v6;
	v6 =	vmul.f32 $8.000000000e+00, v7  }
.LBB2_9:
0x136: {  	v7 =	vld [tilespmem:s0+$0x3B0];
	s1 =	sadd.s32 $0x8, s1;
	[tilespmem:s29+$0x310] =	vst v5;
	v0 =	vmul.f32 $8.000000000e+00, v0  }
0x137: {  	v5 =	vld [tilespmem:s0+$0x10];
	p1 =	slt.u32 s1, $0x78;
	[tilespmem:s29+$0x320] =	vst v6;
	v1 =	vmul.f32 $8.000000000e+00, v1  }
0x138: {  	v6 =	vld [tilespmem:s0+$0x20];
	[tilespmem:s29+$0x330] =	vst v0;
	v0 =	vmul.f32 $8.000000000e+00, v2  }
0x139: {  	v2 =	vld [tilespmem:s0+$0x30];
	[tilespmem:s29+$0x380] =	vst v1;
	v1 =	vmul.f32 $8.000000000e+00, v3  }
0x13a: {  	v3 =	vld [tilespmem:s0+$0x80];
	v4 =	vmul.f32 $8.000000000e+00, v4;
	[tilespmem:s29+$0x390] =	vst v0  }
0x13b: {  	v0 =	vld [tilespmem:s0+$0x90];
	v7 =	vmul.f32 $8.000000000e+00, v7;
	[tilespmem:s29+$0x3A0] =	vst v1  }
0x13c: {  	v1 =	vmul.f32 $8.000000000e+00, v5;
	v5 =	vld [tilespmem:s0+$0xA0];
	[tilespmem:s29+$0x0] =	vst v4;
	s29 =	smov.u32 s0  }
0x13d: {  	v4 =	vmul.f32 $8.000000000e+00, v6;
	v6 =	vld [tilespmem:s0+$0xB0];
	[tilespmem:s0+$0x3B0] =	vst v7  }
0x13e: {  	[tilespmem:s0+$0x10] =	vst v1;
	v1 =	vmul.f32 $8.000000000e+00, v2;
	v2 =	vld [tilespmem:s0+$0x100]  }
0x13f: {  	[tilespmem:s0+$0x20] =	vst v4;
	v3 =	vmul.f32 $8.000000000e+00, v3;
	v4 =	vld [tilespmem:s0+$0x110]  }
0x140: {  	[tilespmem:s0+$0x30] =	vst v1;
	v0 =	vmul.f32 $8.000000000e+00, v0;
	v1 =	vld [tilespmem:s0+$0x120]  }
0x141: {  	[tilespmem:s0+$0x80] =	vst v3;
	v3 =	vmul.f32 $8.000000000e+00, v5;
	v5 =	vld [tilespmem:s0+$0x130]  }
0x142: {  	[tilespmem:s0+$0x90] =	vst v0;
	v0 =	vmul.f32 $8.000000000e+00, v6;
	v6 =	vld [tilespmem:s0+$0x180]  }
0x143: {  	[tilespmem:s0+$0xA0] =	vst v3;
	v2 =	vmul.f32 $8.000000000e+00, v2;
	v3 =	vld [tilespmem:s0+$0x190]  }
0x144: {  	[tilespmem:s0+$0xB0] =	vst v0;
	v0 =	vmul.f32 $8.000000000e+00, v4;
	v4 =	vld [tilespmem:s0+$0x1A0]  }
0x145: {  	[tilespmem:s0+$0x100] =	vst v2;
	v1 =	vmul.f32 $8.000000000e+00, v1;
	v2 =	vld [tilespmem:s0+$0x1B0]  }
0x146: {  	[tilespmem:s0+$0x110] =	vst v0;
	v0 =	vmul.f32 $8.000000000e+00, v5;
	v5 =	vld [tilespmem:s0+$0x200]  }
0x147: {  	[tilespmem:s0+$0x120] =	vst v1;
	v1 =	vmul.f32 $8.000000000e+00, v6;
	v6 =	vld [tilespmem:s0+$0x210]  }
0x148: {  	[tilespmem:s0+$0x130] =	vst v0;
	v0 =	vmul.f32 $8.000000000e+00, v3;
	v3 =	vld [tilespmem:s0+$0x220]  }
0x149: {  	[tilespmem:s0+$0x180] =	vst v1;
	v1 =	vmul.f32 $8.000000000e+00, v4;
	v4 =	vld [tilespmem:s0+$0x230]  }
0x14a: {  	[tilespmem:s0+$0x190] =	vst v0;
	v0 =	vmul.f32 $8.000000000e+00, v2;
	v2 =	vld [tilespmem:s0+$0x280]  }
0x14b: {  	[tilespmem:s0+$0x1A0] =	vst v1;
	v1 =	vmul.f32 $8.000000000e+00, v5;
	v5 =	vld [tilespmem:s0+$0x290]  }
0x14c: {  	[tilespmem:s0+$0x1B0] =	vst v0;
	v0 =	vmul.f32 $8.000000000e+00, v6;
	v6 =	vld [tilespmem:s0+$0x2A0]  }
0x14d: {  	[tilespmem:s0+$0x200] =	vst v1;
	v1 =	vmul.f32 $8.000000000e+00, v3;
	v3 =	vld [tilespmem:s0+$0x2B0]  }
0x14e: {  	[tilespmem:s0+$0x210] =	vst v0;
	v0 =	vmul.f32 $8.000000000e+00, v4;
	v4 =	vld [tilespmem:s0+$0x300]  }
0x14f: {  	[tilespmem:s0+$0x220] =	vst v1;
	v1 =	vmul.f32 $8.000000000e+00, v2;
	v7 =	vld [tilespmem:s0+$0x310]  }
0x150: {  	[tilespmem:s0+$0x230] =	vst v0;
	v2 =	vmul.f32 $8.000000000e+00, v5;
	v8 =	vld [tilespmem:s0+$0x320]  }
.Ltmp5:
0x151: {  	[tilespmem:s0+$0x280] =	vst v1;
	v5 =	vmul.f32 $8.000000000e+00, v6;
	v0 =	vld [tilespmem:s0+$0x330];
	(pc) =	sbr.rel @p1 .LBB2_9-.Ltmp5, $4  }
0x152: {  	[tilespmem:s0+$0x290] =	vst v2;
	v3 =	vmul.f32 $8.000000000e+00, v3;
	v1 =	vld [tilespmem:s0+$0x380]  }
0x153: {  	[tilespmem:s0+$0x2A0] =	vst v5;
	v6 =	vmul.f32 $8.000000000e+00, v4;
	v2 =	vld [tilespmem:s0+$0x390]  }
0x154: {  	[tilespmem:s0+$0x2B0] =	vst v3;
	v5 =	vmul.f32 $8.000000000e+00, v7;
	v3 =	vld [tilespmem:s0+$0x3A0]  }
0x155: {  	s0 =	sadd.s32 $0x400, s0;
	v4 =	vld [tilespmem:s29+$0x0];
	[tilespmem:s29+$0x300] =	vst v6;
	v6 =	vmul.f32 $8.000000000e+00, v8  }
0x156: {  	[tilespmem:s29+$0x310] =	vst v5;
	v0 =	vmul.f32 $8.000000000e+00, v0  }
0x157: {  	[tilespmem:s29+$0x320] =	vst v6;
	v1 =	vmul.f32 $8.000000000e+00, v1  }
0x158: {  	[tilespmem:s29+$0x330] =	vst v0;
	v61 =	vmul.f32 $8.000000000e+00, v2  }
.Ltmp6:
0x159: {  	s0 =	sshll.u32 s28, $0xE;
	[tilespmem:s29+$0x380] =	vst v1;
	v62 =	vmul.f32 $8.000000000e+00, v3;
	(pc) =	sbr.rel @p0 .LBB2_12-.Ltmp6, $4  }
0x15a: {  	s0 =	sadd.s32 s5, s0;
	v63 =	vmul.f32 $8.000000000e+00, v4;
	[tilespmem:s29+$0x390] =	vst v61  }
0x15b: {  	s0 =	sshrl.u32 s0, $0x3;
	[tilespmem:s29+$0x3A0] =	vst v62  }
0x15c: {  	s0 =	sadd.s32 s3, s0;
	[tilespmem:s29+$0x0] =	vst v63  }
0x15d: {  	[hbm4b:s0+s4] =	stream.linear.scatter [tilespmem:s17], [sflag:$0x8], $0x4000, $0x38;
	[tilespmem:$0x16400] =	vst v63  }
.Ltmp7:
0x15e: {  	(pc) =	sbr.rel .LBB2_2-.Ltmp7, $4  }
0x15f: {  	_ =	swait.ge [sflag:s23], $0x4000;
	s0 =	sshll.u32 s26, $0x9  }
0x160: {  	[sflag:s23] =	ssyncset.done $0x0;
	s0 =	sand.u32 $0x3FFFFE00, s0  }
0x161: {  	s26 =	sadd.s32 $0x1, s26;
	[sflag:s23] =	ssyncadd.s32 $0xFFFFC000;
	s0 =	sadd.s32 $0x300, s0  }
0x162: {  	[tilespmem:s15], [sflag:$0x3] =	stream.indirect.gather [hbm4b:s2+s11], $0x80, s0, s11, $0xb8;
	[tilespmem:$0x16400] =	vst v63  }
.LBB2_13:
0x163: {  	_ =	sfence.sel $0x180000  }
0x164: {  	[bflag:$0x0] =	sbarrier.arrive $0xFFFF  }
0x165: {  	_ =	strace $0x90000047  }
0x166: {  	s0 =	stileid.u32;
	[bflag:$0x2] =	sbarrier.arrive $0xFFFF  }
0x167: {  	p0 =	sne.s32 s0, $0x0;
	s0 =	rddreg [dreg:$0x3]  }
0x168: {  	s0 =	sadd.s32 @!p0 $0x100000, s0  }
0x169: {  	[sflag:s0] =	ssyncadd.tile.s32 @!p0 $0x1;
	_ =	shalt  }
.Lfunc_end2:
_tile_overlayer_lowered:
.L_overlay_start_2:
0x16a: {  	(tag) =	ssettag $0x2  }
0x16b: {  	s0 =	rddreg [dreg:$0x0];
	s2 =	stileid.u32  }
0x16c: {  	s1 =	rddreg [dreg:$0x1];
	p0 =	sne.s32 s2, $0x0  }
0x16d: {  	s3 =	rddreg [dreg:$0x2];
	[bflag:$0x3] =	sbarrier.arrive $0xFFFF;
	s2 =	simm.s32 @!p0 $0x1C09  }
0x16e: {  	[timem:s3], [sflag:s2] =	dma.local @!p0 [hbm:s0], s1  }
0x16f: {  	s0 =	simm.s32 @!p0 $0x9  }
0x170: {  	_ =	swait.ge @!p0 [sflag:s0], s1  }
0x171: {  	s1 =	ssub.s32 @!p0 $0x0, s1;
	[sflag:s0] =	ssyncset.done @!p0 $0x0  }
0x172: {  	[sflag:s0] =	ssyncadd.s32 @!p0 s1  }
0x173: {  	[bflag:$0x3] =	sbarrier.arrive $0xFFFF  }
0x174: {  	_ =	shalt  }

</sc_bundles>
